<compile_context>
chip_gen: v7x
topology: tpu7x:2x2x1
jax: 0.10.2.dev20260603
libtpu: 0.0.44.dev20260713+nightly
codegen_flags: <defaults>
</compile_context>

<pallas_src>
import functools

import numpy as np
import jax
import jax.numpy as jnp
from jax import lax
from jax.experimental import pallas as pl
from jax.experimental.pallas import tpu as pltpu
from jax.experimental.pallas import tpu_sc as plsc

N = 10000
E = 320000
D = 128
NC = 2
NS = 16
EPT = E // NS
B = 80
NB = EPT // B
NG = B // 16
VW = 64
NR = 5120
DR = 640
NP2 = 2 * NR
DW = 8
NRT = NR // NS
DRT = DR // NS

_i32 = jnp.int32
_f32 = jnp.float32


def _edge_body(hc, q_hbm, kv0_hbm, kv1_hbm, src_hbm, dst_hbm,
               zn_hbm, zd_hbm, num_hbm, den_hbm,
               qb, kvb, msgb, exb, sidx, didx, nidx, ridx,
               acc_n, acc_d, sem, sem2):
    ch = (32 if hc == 2 else 128)
    vwh = VW // hc
    scale = 1.0 / float(np.sqrt(ch))
    den_cores = NC if hc == 2 else 1
    cid = lax.axis_index("c")
    sid = lax.axis_index("s")

    pltpu.sync_copy(zn_hbm, acc_n.at[pl.ds(sid * NRT, NRT)])
    pltpu.sync_copy(zd_hbm, acc_d.at[pl.ds(sid * DRT, DRT)])

    lanes = lax.iota(_i32, 16)
    zv = jnp.zeros((16,), _f32)

    def z_body(i, carry):
        for j in range(8):
            exb[i, pl.ds(j * 16, 16)] = zv
        return carry

    lax.fori_loop(0, B, z_body, 0)
    plsc.subcore_barrier()

    den_w = jnp.where(cid < den_cores, 1.0, 0.0).astype(_f32)

    def batch_body(b, carry):
        base = pl.multiple_of(sid * EPT + b * B, 16)
        pltpu.sync_copy(src_hbm.at[pl.ds(base, B)], sidx)
        pltpu.sync_copy(dst_hbm.at[pl.ds(base, B)], didx)
        cp_q = pltpu.async_copy(q_hbm.at[didx], qb, sem)
        if hc == 2:
            @pl.when(cid == 0)
            def _():
                pltpu.async_copy(kv0_hbm.at[sidx], kvb, sem2).wait()

            @pl.when(cid == 1)
            def _():
                pltpu.async_copy(kv1_hbm.at[sidx], kvb, sem2).wait()
        else:
            pltpu.async_copy(kv0_hbm.at[sidx], kvb, sem2).wait()
        cp_q.wait()

        def i_body(g, carry2):
            dv = didx[pl.ds(g * 16, 16)]
            nidx[pl.ds(g * 16, 16)] = lax.shift_right_logical(dv, 1)
            ridx[pl.ds(g * 16, 16)] = lax.shift_right_logical(dv, 4)
            return carry2

        lax.fori_loop(0, NG, i_body, 0)

        def group_body(g, carry2):
            rowi = lanes + g * 16
            dv = didx[pl.ds(g * 16, 16)]
            par = jnp.bitwise_and(dv, 1) * VW
            npar = VW - par
            low4 = jnp.bitwise_and(dv, 15) * DW
            for hl in range(hc):
                qc0 = cid * VW + hl * ch if hc == 2 else jnp.int32(0)
                kc0 = hl * ch if hc == 2 else 0
                vc0 = (64 + hl * vwh) if hc == 2 else (128 + cid * VW)

                def alpha_body(c, acc):
                    qv = plsc.load_gather(qb, [rowi, jnp.full((16,), 0, _i32) + qc0 + c])
                    kv = plsc.load_gather(kvb, [rowi, jnp.full((16,), kc0, _i32) + c])
                    return acc + qv * kv

                acc = lax.fori_loop(0, ch, alpha_body, jnp.zeros((16,), _f32))
                ex_h = jnp.exp(acc * scale)
                plsc.store_scatter(exb, [rowi, low4 + hl], ex_h * den_w)

                def w_body(c, _):
                    vv = plsc.load_gather(
                        kvb, [rowi, jnp.full((16,), 0, _i32) + vc0 + c])
                    cb = jnp.full((16,), hl * vwh, _i32) + c
                    plsc.store_scatter(msgb, [rowi, par + cb], vv * ex_h)
                    plsc.store_scatter(msgb, [rowi, npar + cb], zv)
                    return _

                lax.fori_loop(0, vwh, w_body, 0)
            return carry2

        lax.fori_loop(0, NG, group_body, 0)
        pltpu.sync_copy(msgb, acc_n.at[nidx], add=True)
        pltpu.sync_copy(exb, acc_d.at[ridx], add=True)

        def rz_body(g, carry2):
            rowi = lanes + g * 16
            dv = didx[pl.ds(g * 16, 16)]
            low4 = jnp.bitwise_and(dv, 15) * DW
            for hl in range(hc):
                plsc.store_scatter(exb, [rowi, low4 + hl], zv)
            return carry2

        lax.fori_loop(0, NG, rz_body, 0)
        return carry

    lax.fori_loop(0, NB, batch_body, 0)
    plsc.subcore_barrier()

    pltpu.sync_copy(acc_n.at[pl.ds(sid * NRT, NRT)],
                    num_hbm.at[cid, pl.ds(sid * NRT, NRT)])
    pltpu.sync_copy(acc_d.at[pl.ds(sid * DRT, DRT)],
                    den_hbm.at[cid, pl.ds(sid * DRT, DRT)])


def _edge_phase(q, kv0, kv1, src, dst, zn, zd, hc):
    mesh = plsc.VectorSubcoreMesh(core_axis_name="c", subcore_axis_name="s",
                                  num_cores=NC, num_subcores=NS)
    kvw = kv0.shape[-1]
    f = pl.kernel(
        functools.partial(_edge_body, hc),
        out_type=(jax.ShapeDtypeStruct((NC, NR, D), _f32),
                  jax.ShapeDtypeStruct((NC, DR, D), _f32)),
        mesh=mesh,
        compiler_params=pltpu.CompilerParams(needs_layout_passes=False),
        scratch_types=[
            pltpu.VMEM((B, D), _f32),
            pltpu.VMEM((B, kvw), _f32),
            pltpu.VMEM((B, D), _f32),
            pltpu.VMEM((B, D), _f32),
            pltpu.VMEM((B,), _i32),
            pltpu.VMEM((B,), _i32),
            pltpu.VMEM((B,), _i32),
            pltpu.VMEM((B,), _i32),
            pltpu.VMEM_SHARED((NR, D), _f32),
            pltpu.VMEM_SHARED((DR, D), _f32),
            pltpu.SemaphoreType.DMA,
            pltpu.SemaphoreType.DMA,
        ],
    )
    num, den = f(q, kv0, kv1, src, dst, zn, zd)
    return (num.reshape(NC, NP2, VW), den.reshape(NC, NP2, DW))



_BLK = 1000


def _proj_body(x_ref, wq_ref, bq_ref, wk_ref, bk_ref, wv_ref, bv_ref,
               ws_ref, bs_ref, q_ref, kv0_ref, kv1_ref, s_ref):
    xb = x_ref[...]
    qq = jnp.dot(xb, wq_ref[...], preferred_element_type=_f32) + bq_ref[...]
    kk = jnp.dot(xb, wk_ref[...], preferred_element_type=_f32) + bk_ref[...]
    vv = jnp.dot(xb, wv_ref[...], preferred_element_type=_f32) + bv_ref[...]
    q_ref[...] = qq
    kv0_ref[...] = jnp.concatenate([kk[:, :VW], vv[:, :VW]], axis=1)
    kv1_ref[...] = jnp.concatenate([kk[:, VW:], vv[:, VW:]], axis=1)
    s_ref[...] = jnp.dot(xb, ws_ref[...], preferred_element_type=_f32) + bs_ref[...]


def _proj(x, Wq, bq, Wk, bk, Wv, bv, Ws, bs):
    g = N // _BLK
    wspec = pl.BlockSpec((D, D), lambda i: (0, 0))
    bspec = pl.BlockSpec((1, D), lambda i: (0, 0))
    return pl.pallas_call(
        _proj_body,
        out_shape=(jax.ShapeDtypeStruct((N, D), _f32),
                   jax.ShapeDtypeStruct((N, 2 * VW), _f32),
                   jax.ShapeDtypeStruct((N, 2 * VW), _f32),
                   jax.ShapeDtypeStruct((N, D), _f32)),
        grid=(g,),
        in_specs=[pl.BlockSpec((_BLK, D), lambda i: (i, 0)),
                  wspec, bspec, wspec, bspec, wspec, bspec, wspec, bspec],
        out_specs=(pl.BlockSpec((_BLK, D), lambda i: (i, 0)),
                   pl.BlockSpec((_BLK, 2 * VW), lambda i: (i, 0)),
                   pl.BlockSpec((_BLK, 2 * VW), lambda i: (i, 0)),
                   pl.BlockSpec((_BLK, D), lambda i: (i, 0))),
    )(x, Wq, bq, Wk, bk, Wv, bv, Ws, bs)


def _comb_proj_body(n0_ref, n1_ref, d0_ref, d1_ref, s_ref, m0_ref, m1_ref,
                    wq_ref, bq_ref, wk_ref, bk_ref, wv_ref, bv_ref,
                    ws_ref, bs_ref, q_ref, kv_ref, s2_ref):
    num = jnp.concatenate([n0_ref[0], n1_ref[0]], axis=1)
    den = (jnp.dot(d0_ref[0], m0_ref[...], preferred_element_type=_f32)
           + jnp.dot(d1_ref[0], m1_ref[...], preferred_element_type=_f32)
           + 1e-16)
    h = jax.nn.relu(num / den + s_ref[...])
    qq = jnp.dot(h, wq_ref[...], preferred_element_type=_f32) + bq_ref[...]
    kk = jnp.dot(h, wk_ref[...], preferred_element_type=_f32) + bk_ref[...]
    vv = jnp.dot(h, wv_ref[...], preferred_element_type=_f32) + bv_ref[...]
    q_ref[...] = qq
    kv_ref[...] = jnp.concatenate([kk, vv], axis=1)
    s2_ref[...] = jnp.dot(h, ws_ref[...], preferred_element_type=_f32) + bs_ref[...]


def _comb_proj(n_parts, d_parts, s, M0, M1, Wq, bq, Wk, bk, Wv, bv, Ws, bs):
    g = N // _BLK
    wspec = pl.BlockSpec((D, D), lambda i: (0, 0))
    bspec = pl.BlockSpec((1, D), lambda i: (0, 0))
    return pl.pallas_call(
        _comb_proj_body,
        out_shape=(jax.ShapeDtypeStruct((N, D), _f32),
                   jax.ShapeDtypeStruct((N, 2 * D), _f32),
                   jax.ShapeDtypeStruct((N, D), _f32)),
        grid=(g,),
        in_specs=[
            pl.BlockSpec((1, _BLK, VW), lambda i: (0, i, 0)),
            pl.BlockSpec((1, _BLK, VW), lambda i: (1, i, 0)),
            pl.BlockSpec((1, _BLK, DW), lambda i: (0, i, 0)),
            pl.BlockSpec((1, _BLK, DW), lambda i: (1, i, 0)),
            pl.BlockSpec((_BLK, D), lambda i: (i, 0)),
            pl.BlockSpec((DW, D), lambda i: (0, 0)),
            pl.BlockSpec((DW, D), lambda i: (0, 0)),
            wspec, bspec, wspec, bspec, wspec, bspec, wspec, bspec,
        ],
        out_specs=(pl.BlockSpec((_BLK, D), lambda i: (i, 0)),
                   pl.BlockSpec((_BLK, 2 * D), lambda i: (i, 0)),
                   pl.BlockSpec((_BLK, D), lambda i: (i, 0))),
    )(n_parts, n_parts, d_parts, d_parts, s, M0, M1,
      Wq, bq, Wk, bk, Wv, bv, Ws, bs)


def _final_body(n0_ref, n1_ref, d0_ref, d1_ref, s_ref, m0_ref, m1_ref, o_ref):
    num = jnp.concatenate([n0_ref[0], n1_ref[0]], axis=1)
    den = (jnp.dot(d0_ref[0], m0_ref[...], preferred_element_type=_f32)
           + jnp.dot(d1_ref[0], m1_ref[...], preferred_element_type=_f32)
           + 1e-16)
    o_ref[...] = num / den + s_ref[...]


def _final(n_parts, d_parts, s, M0, M1):
    g = N // _BLK
    return pl.pallas_call(
        _final_body,
        out_shape=jax.ShapeDtypeStruct((N, D), _f32),
        grid=(g,),
        in_specs=[
            pl.BlockSpec((1, _BLK, VW), lambda i: (0, i, 0)),
            pl.BlockSpec((1, _BLK, VW), lambda i: (1, i, 0)),
            pl.BlockSpec((1, _BLK, DW), lambda i: (0, i, 0)),
            pl.BlockSpec((1, _BLK, DW), lambda i: (1, i, 0)),
            pl.BlockSpec((_BLK, D), lambda i: (i, 0)),
            pl.BlockSpec((DW, D), lambda i: (0, 0)),
            pl.BlockSpec((DW, D), lambda i: (0, 0)),
        ],
        out_specs=pl.BlockSpec((_BLK, D), lambda i: (i, 0)),
    )(n_parts, n_parts, d_parts, d_parts, s, M0, M1)


def _den_maps(layer):
    m0 = np.zeros((DW, D), np.float32)
    m1 = np.zeros((DW, D), np.float32)
    if layer == 1:
        m0[0, 0:32] = 1.0
        m0[1, 32:64] = 1.0
        m1[0, 64:96] = 1.0
        m1[1, 96:128] = 1.0
    else:
        m0[0, :] = 1.0
    return jnp.asarray(m0), jnp.asarray(m1)


def kernel(x, edge_index, Wq1, bq1, Wk1, bk1, Wv1, bv1, Ws1, bs1,
           Wq2, bq2, Wk2, bk2, Wv2, bv2, Ws2, bs2):
    src = edge_index[0]
    dst = edge_index[1]
    zn = jnp.zeros((NRT, D), _f32)
    zd = jnp.zeros((DRT, D), _f32)
    M01, M11 = _den_maps(1)
    M02, M12 = _den_maps(2)

    q1, kva1, kvb1, s1 = _proj(x, Wq1, bq1[None], Wk1, bk1[None],
                               Wv1, bv1[None], Ws1, bs1[None])
    num1, den1 = _edge_phase(q1, kva1, kvb1, src, dst, zn, zd, hc=2)
    q2, kv2, s2 = _comb_proj(num1, den1, s1, M01, M11,
                             Wq2, bq2[None], Wk2, bk2[None], Wv2, bv2[None],
                             Ws2, bs2[None])
    num2, den2 = _edge_phase(q2, kv2, kv2, src, dst, zn, zd, hc=1)
    return _final(num2, den2, s2, M02, M12)

# --- scband reference (transcript-rebuilt; emitter-appended) ---
"""Pipeline reference for scband-graph-transformer-27084063769019 (READ-ONLY COPY).

The authoritative reference and input builder live on the scoring server;
editing this copy changes nothing except your own understanding.
"""

import jax, jax.numpy as jnp
import numpy as np

N = 10000
E = 320000
D_IN = 128
HID = 32
HEADS = 4
D_OUT = 128


def setup_inputs(seed: int = 0) -> dict:
    key = jax.random.key(seed)
    ks = jax.random.split(key, 20)

    def w(k, shape):
        return jax.random.normal(k, shape, dtype=jnp.float32) * 0.05

    inp = {}
    inp["x"] = jax.random.normal(ks[0], (N, D_IN), dtype=jnp.float32)
    inp["edge_index"] = jax.random.randint(ks[1], (2, E), 0, N, dtype=jnp.int32)
    # conv1: in=128 -> heads=4, out_ch=32 (concat -> 128)
    inp["Wq1"] = w(ks[2], (D_IN, HEADS * HID)); inp["bq1"] = w(ks[3], (HEADS * HID,))
    inp["Wk1"] = w(ks[4], (D_IN, HEADS * HID)); inp["bk1"] = w(ks[5], (HEADS * HID,))
    inp["Wv1"] = w(ks[6], (D_IN, HEADS * HID)); inp["bv1"] = w(ks[7], (HEADS * HID,))
    inp["Ws1"] = w(ks[8], (D_IN, HEADS * HID)); inp["bs1"] = w(ks[9], (HEADS * HID,))
    # conv2: in=128 -> heads=1, out_ch=128
    inp["Wq2"] = w(ks[10], (HEADS * HID, D_OUT)); inp["bq2"] = w(ks[11], (D_OUT,))
    inp["Wk2"] = w(ks[12], (HEADS * HID, D_OUT)); inp["bk2"] = w(ks[13], (D_OUT,))
    inp["Wv2"] = w(ks[14], (HEADS * HID, D_OUT)); inp["bv2"] = w(ks[15], (D_OUT,))
    inp["Ws2"] = w(ks[16], (HEADS * HID, D_OUT)); inp["bs2"] = w(ks[17], (D_OUT,))
    return inp


def transformer_conv(x, src, dst, Wq, bq, Wk, bk, Wv, bv, Ws, bs, heads, out_ch):
    # Faithful PyG TransformerConv (concat=True, root_weight=True, beta=False, no edge_attr)
    n = x.shape[0]
    q = (x @ Wq + bq).reshape(n, heads, out_ch)
    k = (x @ Wk + bk).reshape(n, heads, out_ch)
    v = (x @ Wv + bv).reshape(n, heads, out_ch)
    # per-edge attention logits [E, H]
    alpha = jnp.sum(q[dst] * k[src], axis=-1) / jnp.sqrt(float(out_ch))
    # segment softmax over incoming edges of each dst node
    amax = jax.ops.segment_max(alpha, dst, num_segments=n)
    amax = jnp.where(jnp.isfinite(amax), amax, 0.0)
    ex = jnp.exp(alpha - amax[dst])
    denom = jax.ops.segment_sum(ex, dst, num_segments=n)
    attn = ex / (denom[dst] + 1e-16)
    msg = v[src] * attn[:, :, None]
    out = jax.ops.segment_sum(msg, dst, num_segments=n).reshape(n, heads * out_ch)
    # skip connection (root weight on destination/self features)
    return out + x @ Ws + bs


def reference(x, edge_index, Wq1, bq1, Wk1, bk1, Wv1, bv1, Ws1, bs1, Wq2, bq2, Wk2, bk2, Wv2, bv2, Ws2, bs2):
    src = edge_index[0]
    dst = edge_index[1]
    h = transformer_conv(x, src, dst, Wq1, bq1, Wk1, bk1, Wv1, bv1, Ws1, bs1, HEADS, HID)
    h = jax.nn.relu(h)
    out = transformer_conv(h, src, dst, Wq2, bq2, Wk2, bk2, Wv2, bv2, Ws2, bs2, 1, D_OUT)
    return out

if __name__ == "__main__":
    import jax
    _d = setup_inputs()
    print(jax.jit(kernel)(*tuple(_d.values())))

</pallas_src>

<mosaic_0001>
#map = affine_map<(d0, d1) -> (0, 0)>
#map1 = affine_map<(d0, d1) -> (0)>
#map2 = affine_map<(d0, d1) -> (0, 0, 0)>
module attributes {stable_mosaic.version = 14 : i64} {
  func.func @_edge_body(%arg0: i32, %arg1: i32, %arg2: memref<10000x128xf32, #tpu.memory_space<hbm>>, %arg3: memref<10000x128xf32, #tpu.memory_space<hbm>>, %arg4: memref<10000x128xf32, #tpu.memory_space<hbm>>, %arg5: memref<320000xi32, #tpu.memory_space<hbm>>, %arg6: memref<320000xi32, #tpu.memory_space<hbm>>, %arg7: memref<320x128xf32, #tpu.memory_space<hbm>>, %arg8: memref<40x128xf32, #tpu.memory_space<hbm>>, %arg9: memref<2x5120x128xf32, #tpu.memory_space<hbm>>, %arg10: memref<2x640x128xf32, #tpu.memory_space<hbm>>, %arg11: memref<80x128xf32, #tpu.memory_space<vmem>>, %arg12: memref<80x128xf32, #tpu.memory_space<vmem>>, %arg13: memref<80x128xf32, #tpu.memory_space<vmem>>, %arg14: memref<80x128xf32, #tpu.memory_space<vmem>>, %arg15: memref<80xi32, #tpu.memory_space<vmem>>, %arg16: memref<80xi32, #tpu.memory_space<vmem>>, %arg17: memref<80xi32, #tpu.memory_space<vmem>>, %arg18: memref<80xi32, #tpu.memory_space<vmem>>, %arg19: memref<5120x128xf32, #tpu.memory_space<vmem_shared>>, %arg20: memref<640x128xf32, #tpu.memory_space<vmem_shared>>, %arg21: memref<!tpu.dma_semaphore, #tpu.memory_space<semaphore_mem>>, %arg22: memref<!tpu.dma_semaphore, #tpu.memory_space<semaphore_mem>>) attributes {dimension_semantics = [#tpu.dimension_semantics<core_parallel>, #tpu.dimension_semantics<subcore_parallel>], iteration_bounds = array<i64: 2, 16>, scalar_prefetch = 0 : i64, scratch_operands = 12 : i64, tpu.core_type = #tpu.core_type<sc_vector_subcore>, window_params = [{transform_indices = #map}, {transform_indices = #map}, {transform_indices = #map}, {transform_indices = #map1}, {transform_indices = #map1}, {transform_indices = #map}, {transform_indices = #map}, {transform_indices = #map2}, {transform_indices = #map2}]} {
    %mul3A = arith.constant 320 : i32
    %mul3A_0 = arith.muli %arg1, %mul3A : i32
    "tpu.region"() ({
      %run_scoped3A = tpu.sem_alloc : memref<!tpu.dma_semaphore, #tpu.memory_space<semaphore_mem>>
      %dma_start3A = arith.constant 0 : i32
      %dma_start3A_26 = tpu.memref_slice %arg19[%mul3A_0, %dma_start3A] : memref<5120x128xf32, #tpu.memory_space<vmem_shared>> -> memref<320x128xf32, #tpu.memory_space<vmem_shared>>
      tpu.enqueue_dma source(%arg7 : memref<320x128xf32, #tpu.memory_space<hbm>>) target(%dma_start3A_26 : memref<320x128xf32, #tpu.memory_space<vmem_shared>>) target_semaphore(%run_scoped3A : memref<!tpu.dma_semaphore, #tpu.memory_space<semaphore_mem>>)
      %dma_wait3A = arith.constant 0 : i32
      %dma_wait3A_27 = tpu.memref_slice %arg19[%mul3A_0, %dma_wait3A] : memref<5120x128xf32, #tpu.memory_space<vmem_shared>> -> memref<320x128xf32, #tpu.memory_space<vmem_shared>>
      tpu.wait_dma2 semaphore(%run_scoped3A : memref<!tpu.dma_semaphore, #tpu.memory_space<semaphore_mem>>) src(%arg7 : memref<320x128xf32, #tpu.memory_space<hbm>>) dst(%dma_wait3A_27 : memref<320x128xf32, #tpu.memory_space<vmem_shared>>)
      tpu.yield
    }) : () -> ()
    %mul3A_1 = arith.constant 40 : i32
    %mul3A_2 = arith.muli %arg1, %mul3A_1 : i32
    "tpu.region"() ({
      %run_scoped3A = tpu.sem_alloc : memref<!tpu.dma_semaphore, #tpu.memory_space<semaphore_mem>>
      %dma_start3A = arith.constant 0 : i32
      %dma_start3A_26 = tpu.memref_slice %arg20[%mul3A_2, %dma_start3A] : memref<640x128xf32, #tpu.memory_space<vmem_shared>> -> memref<40x128xf32, #tpu.memory_space<vmem_shared>>
      tpu.enqueue_dma source(%arg8 : memref<40x128xf32, #tpu.memory_space<hbm>>) target(%dma_start3A_26 : memref<40x128xf32, #tpu.memory_space<vmem_shared>>) target_semaphore(%run_scoped3A : memref<!tpu.dma_semaphore, #tpu.memory_space<semaphore_mem>>)
      %dma_wait3A = arith.constant 0 : i32
      %dma_wait3A_27 = tpu.memref_slice %arg20[%mul3A_2, %dma_wait3A] : memref<640x128xf32, #tpu.memory_space<vmem_shared>> -> memref<40x128xf32, #tpu.memory_space<vmem_shared>>
      tpu.wait_dma2 semaphore(%run_scoped3A : memref<!tpu.dma_semaphore, #tpu.memory_space<semaphore_mem>>) src(%arg8 : memref<40x128xf32, #tpu.memory_space<hbm>>) dst(%dma_wait3A_27 : memref<40x128xf32, #tpu.memory_space<vmem_shared>>)
      tpu.yield
    }) : () -> ()
    %iota3A = tpu.iota {dimensions = array<i32: 0>} : vector<16xi32>
    %broadcast_in_dim3A = arith.constant 0.000000e+00 : f32
    %broadcast_in_dim3A_3 = vector.broadcast %broadcast_in_dim3A : f32 to vector<16xf32>
    %scan3A = arith.constant 0 : i32
    %scan3A_4 = arith.constant 0 : i32
    %scan3A_5 = arith.constant 80 : i32
    %scan3A_6 = arith.addi %scan3A_4, %scan3A_5 : i32
    %scan3A_7 = arith.constant 1 : i32
    scf.for %scan3A_26 = %scan3A_4 to %scan3A_6 step %scan3A_7  : i32 {
      %swap3A = arith.index_cast %scan3A_26 : i32 to index
      %swap3A_27 = arith.constant 0 : index
      %swap3A_28 = tpu.vector_load %arg14[%swap3A, %swap3A_27] {strides = array<i32>} : memref<80x128xf32, #tpu.memory_space<vmem>>, vector<16xf32>,
      tpu.vector_store %arg14[%swap3A, %swap3A_27], %broadcast_in_dim3A_3 {strides = array<i32>} : memref<80x128xf32, #tpu.memory_space<vmem>>, vector<16xf32>,
      %swap3A_29 = arith.index_cast %scan3A_26 : i32 to index
      %swap3A_30 = arith.constant 16 : index
      %swap3A_31 = tpu.vector_load %arg14[%swap3A_29, %swap3A_30] {strides = array<i32>} : memref<80x128xf32, #tpu.memory_space<vmem>>, vector<16xf32>,
      tpu.vector_store %arg14[%swap3A_29, %swap3A_30], %broadcast_in_dim3A_3 {strides = array<i32>} : memref<80x128xf32, #tpu.memory_space<vmem>>, vector<16xf32>,
      %swap3A_32 = arith.index_cast %scan3A_26 : i32 to index
      %swap3A_33 = arith.constant 32 : index
      %swap3A_34 = tpu.vector_load %arg14[%swap3A_32, %swap3A_33] {strides = array<i32>} : memref<80x128xf32, #tpu.memory_space<vmem>>, vector<16xf32>,
      tpu.vector_store %arg14[%swap3A_32, %swap3A_33], %broadcast_in_dim3A_3 {strides = array<i32>} : memref<80x128xf32, #tpu.memory_space<vmem>>, vector<16xf32>,
      %swap3A_35 = arith.index_cast %scan3A_26 : i32 to index
      %swap3A_36 = arith.constant 48 : index
      %swap3A_37 = tpu.vector_load %arg14[%swap3A_35, %swap3A_36] {strides = array<i32>} : memref<80x128xf32, #tpu.memory_space<vmem>>, vector<16xf32>,
      tpu.vector_store %arg14[%swap3A_35, %swap3A_36], %broadcast_in_dim3A_3 {strides = array<i32>} : memref<80x128xf32, #tpu.memory_space<vmem>>, vector<16xf32>,
      %swap3A_38 = arith.index_cast %scan3A_26 : i32 to index
      %swap3A_39 = arith.constant 64 : index
      %swap3A_40 = tpu.vector_load %arg14[%swap3A_38, %swap3A_39] {strides = array<i32>} : memref<80x128xf32, #tpu.memory_space<vmem>>, vector<16xf32>,
      tpu.vector_store %arg14[%swap3A_38, %swap3A_39], %broadcast_in_dim3A_3 {strides = array<i32>} : memref<80x128xf32, #tpu.memory_space<vmem>>, vector<16xf32>,
      %swap3A_41 = arith.index_cast %scan3A_26 : i32 to index
      %swap3A_42 = arith.constant 80 : index
      %swap3A_43 = tpu.vector_load %arg14[%swap3A_41, %swap3A_42] {strides = array<i32>} : memref<80x128xf32, #tpu.memory_space<vmem>>, vector<16xf32>,
      tpu.vector_store %arg14[%swap3A_41, %swap3A_42], %broadcast_in_dim3A_3 {strides = array<i32>} : memref<80x128xf32, #tpu.memory_space<vmem>>, vector<16xf32>,
      %swap3A_44 = arith.index_cast %scan3A_26 : i32 to index
      %swap3A_45 = arith.constant 96 : index
      %swap3A_46 = tpu.vector_load %arg14[%swap3A_44, %swap3A_45] {strides = array<i32>} : memref<80x128xf32, #tpu.memory_space<vmem>>, vector<16xf32>,
      tpu.vector_store %arg14[%swap3A_44, %swap3A_45], %broadcast_in_dim3A_3 {strides = array<i32>} : memref<80x128xf32, #tpu.memory_space<vmem>>, vector<16xf32>,
      %swap3A_47 = arith.index_cast %scan3A_26 : i32 to index
      %swap3A_48 = arith.constant 112 : index
      %swap3A_49 = tpu.vector_load %arg14[%swap3A_47, %swap3A_48] {strides = array<i32>} : memref<80x128xf32, #tpu.memory_space<vmem>>, vector<16xf32>,
      tpu.vector_store %arg14[%swap3A_47, %swap3A_48], %broadcast_in_dim3A_3 {strides = array<i32>} : memref<80x128xf32, #tpu.memory_space<vmem>>, vector<16xf32>,
    }
    %scan3A_8 = arith.constant 80 : i32
    %barrier3A = arith.constant 0 : index
    tpu.barrier barrier_id(%barrier3A)
    %lt3A = arith.constant 2 : i32
    %lt3A_9 = arith.cmpi slt, %arg0, %lt3A : i32
    %jit3A = arith.constant 1.000000e+00 : f32
    %jit3A_10 = arith.constant 0.000000e+00 : f32
    %select_n3A = arith.select %lt3A_9, %jit3A, %jit3A_10 : f32
    %scan3A_11 = arith.constant 0 : i32
    %scan3A_12 = arith.constant 0 : i32
    %scan3A_13 = arith.constant 250 : i32
    %scan3A_14 = arith.addi %scan3A_12, %scan3A_13 : i32
    %scan3A_15 = arith.constant 1 : i32
    scf.for %scan3A_26 = %scan3A_12 to %scan3A_14 step %scan3A_15  : i32 {
      %mul3A_27 = arith.constant 20000 : i32
      %mul3A_28 = arith.muli %arg1, %mul3A_27 : i32
      %mul3A_29 = arith.constant 80 : i32
      %mul3A_30 = arith.muli %scan3A_26, %mul3A_29 : i32
      %add3A = arith.addi %mul3A_28, %mul3A_30 : i32
      %multiple_of3A = tpu.assume_multiple %add3A, 16 : i32
      "tpu.region"() ({
        %run_scoped3A = tpu.sem_alloc : memref<!tpu.dma_semaphore, #tpu.memory_space<semaphore_mem>>
        %dma_start3A_60 = tpu.memref_slice %arg5[%multiple_of3A] : memref<320000xi32, #tpu.memory_space<hbm>> -> memref<80xi32, #tpu.memory_space<hbm>>
        %dma_start3A_61 = tpu.memref_slice %arg5[%multiple_of3A] : memref<320000xi32, #tpu.memory_space<hbm>> -> memref<80xi32, #tpu.memory_space<hbm>>
        tpu.enqueue_dma source(%dma_start3A_61 : memref<80xi32, #tpu.memory_space<hbm>>) target(%arg15 : memref<80xi32, #tpu.memory_space<vmem>>) target_semaphore(%run_scoped3A : memref<!tpu.dma_semaphore, #tpu.memory_space<semaphore_mem>>)
        %dma_wait3A_62 = tpu.memref_slice %arg5[%multiple_of3A] : memref<320000xi32, #tpu.memory_space<hbm>> -> memref<80xi32, #tpu.memory_space<hbm>>
        %dma_wait3A_63 = tpu.memref_slice %arg5[%multiple_of3A] : memref<320000xi32, #tpu.memory_space<hbm>> -> memref<80xi32, #tpu.memory_space<hbm>>
        tpu.wait_dma2 semaphore(%run_scoped3A : memref<!tpu.dma_semaphore, #tpu.memory_space<semaphore_mem>>) src(%dma_wait3A_63 : memref<80xi32, #tpu.memory_space<hbm>>) dst(%arg15 : memref<80xi32, #tpu.memory_space<vmem>>)
        tpu.yield
      }) : () -> ()
      "tpu.region"() ({
        %run_scoped3A = tpu.sem_alloc : memref<!tpu.dma_semaphore, #tpu.memory_space<semaphore_mem>>
        %dma_start3A_60 = tpu.memref_slice %arg6[%multiple_of3A] : memref<320000xi32, #tpu.memory_space<hbm>> -> memref<80xi32, #tpu.memory_space<hbm>>
        %dma_start3A_61 = tpu.memref_slice %arg6[%multiple_of3A] : memref<320000xi32, #tpu.memory_space<hbm>> -> memref<80xi32, #tpu.memory_space<hbm>>
        tpu.enqueue_dma source(%dma_start3A_61 : memref<80xi32, #tpu.memory_space<hbm>>) target(%arg16 : memref<80xi32, #tpu.memory_space<vmem>>) target_semaphore(%run_scoped3A : memref<!tpu.dma_semaphore, #tpu.memory_space<semaphore_mem>>)
        %dma_wait3A_62 = tpu.memref_slice %arg6[%multiple_of3A] : memref<320000xi32, #tpu.memory_space<hbm>> -> memref<80xi32, #tpu.memory_space<hbm>>
        %dma_wait3A_63 = tpu.memref_slice %arg6[%multiple_of3A] : memref<320000xi32, #tpu.memory_space<hbm>> -> memref<80xi32, #tpu.memory_space<hbm>>
        tpu.wait_dma2 semaphore(%run_scoped3A : memref<!tpu.dma_semaphore, #tpu.memory_space<semaphore_mem>>) src(%dma_wait3A_63 : memref<80xi32, #tpu.memory_space<hbm>>) dst(%arg16 : memref<80xi32, #tpu.memory_space<vmem>>)
        tpu.yield
      }) : () -> ()
      %dma_start3A = arith.constant 0 : i32
      %dma_start3A_31 = arith.constant 0 : i32
      %dma_start3A_32 = tpu.memref_slice %arg2[%dma_start3A, %dma_start3A_31] : memref<10000x128xf32, #tpu.memory_space<hbm>> -> memref<10000x128xf32, #tpu.memory_space<hbm>>
      tpu.enqueue_indirect_dma source(%dma_start3A_32 : memref<10000x128xf32, #tpu.memory_space<hbm>>) target(%arg11 : memref<80x128xf32, #tpu.memory_space<vmem>>) offsets(%arg16 : memref<80xi32, #tpu.memory_space<vmem>>) semaphore(%arg21 : memref<!tpu.dma_semaphore, #tpu.memory_space<semaphore_mem>>)
      %eq3A = arith.constant 0 : i32
      %eq3A_33 = arith.cmpi eq, %arg0, %eq3A : i32
      %convert_element_type3A = arith.extui %eq3A_33 : i1 to i32
      %cond3A = arith.constant 0 : i32
      %cond3A_34 = arith.cmpi ne, %convert_element_type3A, %cond3A : i32
      scf.if %cond3A_34 {
        %dma_start3A_60 = arith.constant 0 : i32
        %dma_start3A_61 = arith.constant 0 : i32
        %dma_start3A_62 = tpu.memref_slice %arg3[%dma_start3A_60, %dma_start3A_61] : memref<10000x128xf32, #tpu.memory_space<hbm>> -> memref<10000x128xf32, #tpu.memory_space<hbm>>
        tpu.enqueue_indirect_dma source(%dma_start3A_62 : memref<10000x128xf32, #tpu.memory_space<hbm>>) target(%arg12 : memref<80x128xf32, #tpu.memory_space<vmem>>) offsets(%arg15 : memref<80xi32, #tpu.memory_space<vmem>>) semaphore(%arg22 : memref<!tpu.dma_semaphore, #tpu.memory_space<semaphore_mem>>)
        %dma_wait3A_63 = arith.constant 0 : i32
        %dma_wait3A_64 = arith.constant 0 : i32
        %dma_wait3A_65 = tpu.memref_slice %arg3[%dma_wait3A_63, %dma_wait3A_64] : memref<10000x128xf32, #tpu.memory_space<hbm>> -> memref<10000x128xf32, #tpu.memory_space<hbm>>
        tpu.wait_indirect_dma semaphore(%arg22 : memref<!tpu.dma_semaphore, #tpu.memory_space<semaphore_mem>>) src(%dma_wait3A_65 : memref<10000x128xf32, #tpu.memory_space<hbm>>) dst(%arg12 : memref<80x128xf32, #tpu.memory_space<vmem>>)
      } else {
      }
      %eq3A_35 = arith.constant 1 : i32
      %eq3A_36 = arith.cmpi eq, %arg0, %eq3A_35 : i32
      %convert_element_type3A_37 = arith.extui %eq3A_36 : i1 to i32
      %cond3A_38 = arith.constant 0 : i32
      %cond3A_39 = arith.cmpi ne, %convert_element_type3A_37, %cond3A_38 : i32
      scf.if %cond3A_39 {
        %dma_start3A_60 = arith.constant 0 : i32
        %dma_start3A_61 = arith.constant 0 : i32
        %dma_start3A_62 = tpu.memref_slice %arg4[%dma_start3A_60, %dma_start3A_61] : memref<10000x128xf32, #tpu.memory_space<hbm>> -> memref<10000x128xf32, #tpu.memory_space<hbm>>
        tpu.enqueue_indirect_dma source(%dma_start3A_62 : memref<10000x128xf32, #tpu.memory_space<hbm>>) target(%arg12 : memref<80x128xf32, #tpu.memory_space<vmem>>) offsets(%arg15 : memref<80xi32, #tpu.memory_space<vmem>>) semaphore(%arg22 : memref<!tpu.dma_semaphore, #tpu.memory_space<semaphore_mem>>)
        %dma_wait3A_63 = arith.constant 0 : i32
        %dma_wait3A_64 = arith.constant 0 : i32
        %dma_wait3A_65 = tpu.memref_slice %arg4[%dma_wait3A_63, %dma_wait3A_64] : memref<10000x128xf32, #tpu.memory_space<hbm>> -> memref<10000x128xf32, #tpu.memory_space<hbm>>
        tpu.wait_indirect_dma semaphore(%arg22 : memref<!tpu.dma_semaphore, #tpu.memory_space<semaphore_mem>>) src(%dma_wait3A_65 : memref<10000x128xf32, #tpu.memory_space<hbm>>) dst(%arg12 : memref<80x128xf32, #tpu.memory_space<vmem>>)
      } else {
      }
      %dma_wait3A = arith.constant 0 : i32
      %dma_wait3A_40 = arith.constant 0 : i32
      %dma_wait3A_41 = tpu.memref_slice %arg2[%dma_wait3A, %dma_wait3A_40] : memref<10000x128xf32, #tpu.memory_space<hbm>> -> memref<10000x128xf32, #tpu.memory_space<hbm>>
      tpu.wait_indirect_dma semaphore(%arg21 : memref<!tpu.dma_semaphore, #tpu.memory_space<semaphore_mem>>) src(%dma_wait3A_41 : memref<10000x128xf32, #tpu.memory_space<hbm>>) dst(%arg11 : memref<80x128xf32, #tpu.memory_space<vmem>>)
      %scan3A_42 = arith.constant 0 : i32
      %scan3A_43 = arith.constant 0 : i32
      %scan3A_44 = arith.constant 5 : i32
      %scan3A_45 = arith.addi %scan3A_43, %scan3A_44 : i32
      %scan3A_46 = arith.constant 1 : i32
      scf.for %scan3A_60 = %scan3A_43 to %scan3A_45 step %scan3A_46  : i32 {
        %mul3A_61 = arith.constant 16 : i32
        %mul3A_62 = arith.muli %scan3A_60, %mul3A_61 : i32
        %get3A = arith.index_cast %mul3A_62 : i32 to index
        %get3A_63 = tpu.vector_load %arg16[%get3A] {strides = array<i32>} : memref<80xi32, #tpu.memory_space<vmem>>, vector<16xi32>,
        %shift_right_logical3A = arith.constant 1 : i32
        %shift_right_logical3A_64 = vector.broadcast %shift_right_logical3A : i32 to vector<16xi32>
        %shift_right_logical3A_65 = arith.shrui %get3A_63, %shift_right_logical3A_64 : vector<16xi32>
        %mul3A_66 = arith.constant 16 : i32
        %mul3A_67 = arith.muli %scan3A_60, %mul3A_66 : i32
        %swap3A = arith.index_cast %mul3A_67 : i32 to index
        %swap3A_68 = tpu.vector_load %arg17[%swap3A] {strides = array<i32>} : memref<80xi32, #tpu.memory_space<vmem>>, vector<16xi32>,
        tpu.vector_store %arg17[%swap3A], %shift_right_logical3A_65 {strides = array<i32>} : memref<80xi32, #tpu.memory_space<vmem>>, vector<16xi32>,
        %shift_right_logical3A_69 = arith.constant 4 : i32
        %shift_right_logical3A_70 = vector.broadcast %shift_right_logical3A_69 : i32 to vector<16xi32>
        %shift_right_logical3A_71 = arith.shrui %get3A_63, %shift_right_logical3A_70 : vector<16xi32>
        %mul3A_72 = arith.constant 16 : i32
        %mul3A_73 = arith.muli %scan3A_60, %mul3A_72 : i32
        %swap3A_74 = arith.index_cast %mul3A_73 : i32 to index
        %swap3A_75 = tpu.vector_load %arg18[%swap3A_74] {strides = array<i32>} : memref<80xi32, #tpu.memory_space<vmem>>, vector<16xi32>,
        tpu.vector_store %arg18[%swap3A_74], %shift_right_logical3A_71 {strides = array<i32>} : memref<80xi32, #tpu.memory_space<vmem>>, vector<16xi32>,
      }
      %scan3A_47 = arith.constant 5 : i32
      %scan3A_48 = arith.constant 0 : i32
      %scan3A_49 = arith.constant 0 : i32
      %scan3A_50 = arith.constant 5 : i32
      %scan3A_51 = arith.addi %scan3A_49, %scan3A_50 : i32
      %scan3A_52 = arith.constant 1 : i32
      scf.for %scan3A_60 = %scan3A_49 to %scan3A_51 step %scan3A_52  : i32 {
        %mul3A_61 = arith.constant 16 : i32
        %mul3A_62 = arith.muli %scan3A_60, %mul3A_61 : i32
        %add3A_63 = vector.broadcast %mul3A_62 : i32 to vector<16xi32>
        %add3A_64 = arith.addi %iota3A, %add3A_63 : vector<16xi32>
        %mul3A_65 = arith.constant 16 : i32
        %mul3A_66 = arith.muli %scan3A_60, %mul3A_65 : i32
        %get3A = arith.index_cast %mul3A_66 : i32 to index
        %get3A_67 = tpu.vector_load %arg16[%get3A] {strides = array<i32>} : memref<80xi32, #tpu.memory_space<vmem>>, vector<16xi32>,
        %and3A = arith.constant 1 : i32
        %and3A_68 = vector.broadcast %and3A : i32 to vector<16xi32>
        %and3A_69 = arith.andi %get3A_67, %and3A_68 : vector<16xi32>
        %mul3A_70 = arith.constant 64 : i32
        %mul3A_71 = vector.broadcast %mul3A_70 : i32 to vector<16xi32>
        %mul3A_72 = arith.muli %and3A_69, %mul3A_71 : vector<16xi32>
        %sub3A = arith.constant 64 : i32
        %sub3A_73 = vector.broadcast %sub3A : i32 to vector<16xi32>
        %sub3A_74 = arith.subi %sub3A_73, %mul3A_72 : vector<16xi32>
        %and3A_75 = arith.constant 15 : i32
        %and3A_76 = vector.broadcast %and3A_75 : i32 to vector<16xi32>
        %and3A_77 = arith.andi %get3A_67, %and3A_76 : vector<16xi32>
        %mul3A_78 = arith.constant 8 : i32
        %mul3A_79 = vector.broadcast %mul3A_78 : i32 to vector<16xi32>
        %mul3A_80 = arith.muli %and3A_77, %mul3A_79 : vector<16xi32>
        %mul3A_81 = arith.constant 64 : i32
        %mul3A_82 = arith.muli %arg0, %mul3A_81 : i32
        %add3A_83 = arith.constant 0 : i32
        %add3A_84 = arith.addi %mul3A_82, %add3A_83 : i32
        %broadcast_in_dim3A_85 = arith.constant 0.000000e+00 : f32
        %broadcast_in_dim3A_86 = vector.broadcast %broadcast_in_dim3A_85 : f32 to vector<16xf32>
        %scan3A_87 = arith.constant 0 : i32
        %scan3A_88 = arith.constant 32 : i32
        %scan3A_89 = arith.addi %scan3A_87, %scan3A_88 : i32
        %scan3A_90 = arith.constant 1 : i32
        %scan3A_91 = scf.for %scan3A_134 = %scan3A_87 to %scan3A_89 step %scan3A_90 iter_args(%scan3A_135 = %broadcast_in_dim3A_86) -> (vector<16xf32>)  : i32 {
          %broadcast_in_dim3A_136 = arith.constant 0 : i32
          %broadcast_in_dim3A_137 = vector.broadcast %broadcast_in_dim3A_136 : i32 to vector<16xi32>
          %add3A_138 = vector.broadcast %add3A_84 : i32 to vector<16xi32>
          %add3A_139 = arith.addi %broadcast_in_dim3A_137, %add3A_138 : vector<16xi32>
          %add3A_140 = vector.broadcast %scan3A_134 : i32 to vector<16xi32>
          %add3A_141 = arith.addi %add3A_139, %add3A_140 : vector<16xi32>
          %gather3A = tpu.vector_load_idx %arg11[%add3A_64, %add3A_141] : memref<80x128xf32, #tpu.memory_space<vmem>>[vector<16xi32>, vector<16xi32>], vector<16xf32>,
          %broadcast_in_dim3A_142 = arith.constant 0 : i32
          %broadcast_in_dim3A_143 = vector.broadcast %broadcast_in_dim3A_142 : i32 to vector<16xi32>
          %add3A_144 = vector.broadcast %scan3A_134 : i32 to vector<16xi32>
          %add3A_145 = arith.addi %broadcast_in_dim3A_143, %add3A_144 : vector<16xi32>
          %gather3A_146 = tpu.vector_load_idx %arg12[%add3A_64, %add3A_145] : memref<80x128xf32, #tpu.memory_space<vmem>>[vector<16xi32>, vector<16xi32>], vector<16xf32>,
          %mul3A_147 = arith.mulf %gather3A, %gather3A_146 : vector<16xf32>
          %add3A_148 = arith.addf %scan3A_135, %mul3A_147 : vector<16xf32>
          scf.yield %add3A_148 : vector<16xf32>
        }
        %scan3A_92 = arith.constant 32 : i32
        %mul3A_93 = arith.constant 0.176776692 : f32
        %mul3A_94 = vector.broadcast %mul3A_93 : f32 to vector<16xf32>
        %mul3A_95 = arith.mulf %scan3A_91, %mul3A_94 : vector<16xf32>
        %exp3A = math.exp %mul3A_95 : vector<16xf32>
        %add3A_96 = arith.constant 0 : i32
        %add3A_97 = vector.broadcast %add3A_96 : i32 to vector<16xi32>
        %add3A_98 = arith.addi %mul3A_80, %add3A_97 : vector<16xi32>
        %mul3A_99 = vector.broadcast %select_n3A : f32 to vector<16xf32>
        %mul3A_100 = arith.mulf %exp3A, %mul3A_99 : vector<16xf32>
        tpu.vector_store_idx %arg14[%add3A_64, %add3A_98], %mul3A_100 : memref<80x128xf32, #tpu.memory_space<vmem>>[vector<16xi32>, vector<16xi32>], vector<16xf32>,
        %scan3A_101 = arith.constant 0 : i32
        %scan3A_102 = arith.constant 0 : i32
        %scan3A_103 = arith.constant 32 : i32
        %scan3A_104 = arith.addi %scan3A_102, %scan3A_103 : i32
        %scan3A_105 = arith.constant 1 : i32
        scf.for %scan3A_134 = %scan3A_102 to %scan3A_104 step %scan3A_105  : i32 {
          %broadcast_in_dim3A_135 = arith.constant 0 : i32
          %broadcast_in_dim3A_136 = vector.broadcast %broadcast_in_dim3A_135 : i32 to vector<16xi32>
          %add3A_137 = arith.constant 64 : i32
          %add3A_138 = vector.broadcast %add3A_137 : i32 to vector<16xi32>
          %add3A_139 = arith.addi %broadcast_in_dim3A_136, %add3A_138 : vector<16xi32>
          %add3A_140 = vector.broadcast %scan3A_134 : i32 to vector<16xi32>
          %add3A_141 = arith.addi %add3A_139, %add3A_140 : vector<16xi32>
          %gather3A = tpu.vector_load_idx %arg12[%add3A_64, %add3A_141] : memref<80x128xf32, #tpu.memory_space<vmem>>[vector<16xi32>, vector<16xi32>], vector<16xf32>,
          %broadcast_in_dim3A_142 = arith.constant 0 : i32
          %broadcast_in_dim3A_143 = vector.broadcast %broadcast_in_dim3A_142 : i32 to vector<16xi32>
          %add3A_144 = vector.broadcast %scan3A_134 : i32 to vector<16xi32>
          %add3A_145 = arith.addi %broadcast_in_dim3A_143, %add3A_144 : vector<16xi32>
          %add3A_146 = arith.addi %mul3A_72, %add3A_145 : vector<16xi32>
          %mul3A_147 = arith.mulf %gather3A, %exp3A : vector<16xf32>
          tpu.vector_store_idx %arg13[%add3A_64, %add3A_146], %mul3A_147 : memref<80x128xf32, #tpu.memory_space<vmem>>[vector<16xi32>, vector<16xi32>], vector<16xf32>,
          %add3A_148 = arith.addi %sub3A_74, %add3A_145 : vector<16xi32>
          tpu.vector_store_idx %arg13[%add3A_64, %add3A_148], %broadcast_in_dim3A_3 : memref<80x128xf32, #tpu.memory_space<vmem>>[vector<16xi32>, vector<16xi32>], vector<16xf32>,
        }
        %scan3A_106 = arith.constant 32 : i32
        %mul3A_107 = arith.constant 64 : i32
        %mul3A_108 = arith.muli %arg0, %mul3A_107 : i32
        %add3A_109 = arith.constant 32 : i32
        %add3A_110 = arith.addi %mul3A_108, %add3A_109 : i32
        %broadcast_in_dim3A_111 = arith.constant 0.000000e+00 : f32
        %broadcast_in_dim3A_112 = vector.broadcast %broadcast_in_dim3A_111 : f32 to vector<16xf32>
        %scan3A_113 = arith.constant 0 : i32
        %scan3A_114 = arith.constant 32 : i32
        %scan3A_115 = arith.addi %scan3A_113, %scan3A_114 : i32
        %scan3A_116 = arith.constant 1 : i32
        %scan3A_117 = scf.for %scan3A_134 = %scan3A_113 to %scan3A_115 step %scan3A_116 iter_args(%scan3A_135 = %broadcast_in_dim3A_112) -> (vector<16xf32>)  : i32 {
          %broadcast_in_dim3A_136 = arith.constant 0 : i32
          %broadcast_in_dim3A_137 = vector.broadcast %broadcast_in_dim3A_136 : i32 to vector<16xi32>
          %add3A_138 = vector.broadcast %add3A_110 : i32 to vector<16xi32>
          %add3A_139 = arith.addi %broadcast_in_dim3A_137, %add3A_138 : vector<16xi32>
          %add3A_140 = vector.broadcast %scan3A_134 : i32 to vector<16xi32>
          %add3A_141 = arith.addi %add3A_139, %add3A_140 : vector<16xi32>
          %gather3A = tpu.vector_load_idx %arg11[%add3A_64, %add3A_141] : memref<80x128xf32, #tpu.memory_space<vmem>>[vector<16xi32>, vector<16xi32>], vector<16xf32>,
          %broadcast_in_dim3A_142 = arith.constant 32 : i32
          %broadcast_in_dim3A_143 = vector.broadcast %broadcast_in_dim3A_142 : i32 to vector<16xi32>
          %add3A_144 = vector.broadcast %scan3A_134 : i32 to vector<16xi32>
          %add3A_145 = arith.addi %broadcast_in_dim3A_143, %add3A_144 : vector<16xi32>
          %gather3A_146 = tpu.vector_load_idx %arg12[%add3A_64, %add3A_145] : memref<80x128xf32, #tpu.memory_space<vmem>>[vector<16xi32>, vector<16xi32>], vector<16xf32>,
          %mul3A_147 = arith.mulf %gather3A, %gather3A_146 : vector<16xf32>
          %add3A_148 = arith.addf %scan3A_135, %mul3A_147 : vector<16xf32>
          scf.yield %add3A_148 : vector<16xf32>
        }
        %scan3A_118 = arith.constant 32 : i32
        %mul3A_119 = arith.constant 0.176776692 : f32
        %mul3A_120 = vector.broadcast %mul3A_119 : f32 to vector<16xf32>
        %mul3A_121 = arith.mulf %scan3A_117, %mul3A_120 : vector<16xf32>
        %exp3A_122 = math.exp %mul3A_121 : vector<16xf32>
        %add3A_123 = arith.constant 1 : i32
        %add3A_124 = vector.broadcast %add3A_123 : i32 to vector<16xi32>
        %add3A_125 = arith.addi %mul3A_80, %add3A_124 : vector<16xi32>
        %mul3A_126 = vector.broadcast %select_n3A : f32 to vector<16xf32>
        %mul3A_127 = arith.mulf %exp3A_122, %mul3A_126 : vector<16xf32>
        tpu.vector_store_idx %arg14[%add3A_64, %add3A_125], %mul3A_127 : memref<80x128xf32, #tpu.memory_space<vmem>>[vector<16xi32>, vector<16xi32>], vector<16xf32>,
        %scan3A_128 = arith.constant 0 : i32
        %scan3A_129 = arith.constant 0 : i32
        %scan3A_130 = arith.constant 32 : i32
        %scan3A_131 = arith.addi %scan3A_129, %scan3A_130 : i32
        %scan3A_132 = arith.constant 1 : i32
        scf.for %scan3A_134 = %scan3A_129 to %scan3A_131 step %scan3A_132  : i32 {
          %broadcast_in_dim3A_135 = arith.constant 0 : i32
          %broadcast_in_dim3A_136 = vector.broadcast %broadcast_in_dim3A_135 : i32 to vector<16xi32>
          %add3A_137 = arith.constant 96 : i32
          %add3A_138 = vector.broadcast %add3A_137 : i32 to vector<16xi32>
          %add3A_139 = arith.addi %broadcast_in_dim3A_136, %add3A_138 : vector<16xi32>
          %add3A_140 = vector.broadcast %scan3A_134 : i32 to vector<16xi32>
          %add3A_141 = arith.addi %add3A_139, %add3A_140 : vector<16xi32>
          %gather3A = tpu.vector_load_idx %arg12[%add3A_64, %add3A_141] : memref<80x128xf32, #tpu.memory_space<vmem>>[vector<16xi32>, vector<16xi32>], vector<16xf32>,
          %broadcast_in_dim3A_142 = arith.constant 32 : i32
          %broadcast_in_dim3A_143 = vector.broadcast %broadcast_in_dim3A_142 : i32 to vector<16xi32>
          %add3A_144 = vector.broadcast %scan3A_134 : i32 to vector<16xi32>
          %add3A_145 = arith.addi %broadcast_in_dim3A_143, %add3A_144 : vector<16xi32>
          %add3A_146 = arith.addi %mul3A_72, %add3A_145 : vector<16xi32>
          %mul3A_147 = arith.mulf %gather3A, %exp3A_122 : vector<16xf32>
          tpu.vector_store_idx %arg13[%add3A_64, %add3A_146], %mul3A_147 : memref<80x128xf32, #tpu.memory_space<vmem>>[vector<16xi32>, vector<16xi32>], vector<16xf32>,
          %add3A_148 = arith.addi %sub3A_74, %add3A_145 : vector<16xi32>
          tpu.vector_store_idx %arg13[%add3A_64, %add3A_148], %broadcast_in_dim3A_3 : memref<80x128xf32, #tpu.memory_space<vmem>>[vector<16xi32>, vector<16xi32>], vector<16xf32>,
        }
        %scan3A_133 = arith.constant 32 : i32
      }
      %scan3A_53 = arith.constant 5 : i32
      "tpu.region"() ({
        %run_scoped3A = tpu.sem_alloc : memref<!tpu.dma_semaphore, #tpu.memory_space<semaphore_mem>>
        %dma_start3A_60 = arith.constant 0 : i32
        %dma_start3A_61 = arith.constant 0 : i32
        %dma_start3A_62 = tpu.memref_slice %arg19[%dma_start3A_60, %dma_start3A_61] : memref<5120x128xf32, #tpu.memory_space<vmem_shared>> -> memref<5120x128xf32, #tpu.memory_space<vmem_shared>>
        tpu.enqueue_indirect_dma source(%arg13 : memref<80x128xf32, #tpu.memory_space<vmem>>) target(%dma_start3A_62 : memref<5120x128xf32, #tpu.memory_space<vmem_shared>>) offsets(%arg17 : memref<80xi32, #tpu.memory_space<vmem>>) semaphore(%run_scoped3A : memref<!tpu.dma_semaphore, #tpu.memory_space<semaphore_mem>>) {add = true}
        %dma_wait3A_63 = arith.constant 0 : i32
        %dma_wait3A_64 = arith.constant 0 : i32
        %dma_wait3A_65 = tpu.memref_slice %arg19[%dma_wait3A_63, %dma_wait3A_64] : memref<5120x128xf32, #tpu.memory_space<vmem_shared>> -> memref<5120x128xf32, #tpu.memory_space<vmem_shared>>
        tpu.wait_indirect_dma semaphore(%run_scoped3A : memref<!tpu.dma_semaphore, #tpu.memory_space<semaphore_mem>>) src(%arg13 : memref<80x128xf32, #tpu.memory_space<vmem>>) dst(%dma_wait3A_65 : memref<5120x128xf32, #tpu.memory_space<vmem_shared>>)
        tpu.yield
      }) : () -> ()
      "tpu.region"() ({
        %run_scoped3A = tpu.sem_alloc : memref<!tpu.dma_semaphore, #tpu.memory_space<semaphore_mem>>
        %dma_start3A_60 = arith.constant 0 : i32
        %dma_start3A_61 = arith.constant 0 : i32
        %dma_start3A_62 = tpu.memref_slice %arg20[%dma_start3A_60, %dma_start3A_61] : memref<640x128xf32, #tpu.memory_space<vmem_shared>> -> memref<640x128xf32, #tpu.memory_space<vmem_shared>>
        tpu.enqueue_indirect_dma source(%arg14 : memref<80x128xf32, #tpu.memory_space<vmem>>) target(%dma_start3A_62 : memref<640x128xf32, #tpu.memory_space<vmem_shared>>) offsets(%arg18 : memref<80xi32, #tpu.memory_space<vmem>>) semaphore(%run_scoped3A : memref<!tpu.dma_semaphore, #tpu.memory_space<semaphore_mem>>) {add = true}
        %dma_wait3A_63 = arith.constant 0 : i32
        %dma_wait3A_64 = arith.constant 0 : i32
        %dma_wait3A_65 = tpu.memref_slice %arg20[%dma_wait3A_63, %dma_wait3A_64] : memref<640x128xf32, #tpu.memory_space<vmem_shared>> -> memref<640x128xf32, #tpu.memory_space<vmem_shared>>
        tpu.wait_indirect_dma semaphore(%run_scoped3A : memref<!tpu.dma_semaphore, #tpu.memory_space<semaphore_mem>>) src(%arg14 : memref<80x128xf32, #tpu.memory_space<vmem>>) dst(%dma_wait3A_65 : memref<640x128xf32, #tpu.memory_space<vmem_shared>>)
        tpu.yield
      }) : () -> ()
      %scan3A_54 = arith.constant 0 : i32
      %scan3A_55 = arith.constant 0 : i32
      %scan3A_56 = arith.constant 5 : i32
      %scan3A_57 = arith.addi %scan3A_55, %scan3A_56 : i32
      %scan3A_58 = arith.constant 1 : i32
      scf.for %scan3A_60 = %scan3A_55 to %scan3A_57 step %scan3A_58  : i32 {
        %mul3A_61 = arith.constant 16 : i32
        %mul3A_62 = arith.muli %scan3A_60, %mul3A_61 : i32
        %add3A_63 = vector.broadcast %mul3A_62 : i32 to vector<16xi32>
        %add3A_64 = arith.addi %iota3A, %add3A_63 : vector<16xi32>
        %mul3A_65 = arith.constant 16 : i32
        %mul3A_66 = arith.muli %scan3A_60, %mul3A_65 : i32
        %get3A = arith.index_cast %mul3A_66 : i32 to index
        %get3A_67 = tpu.vector_load %arg16[%get3A] {strides = array<i32>} : memref<80xi32, #tpu.memory_space<vmem>>, vector<16xi32>,
        %and3A = arith.constant 15 : i32
        %and3A_68 = vector.broadcast %and3A : i32 to vector<16xi32>
        %and3A_69 = arith.andi %get3A_67, %and3A_68 : vector<16xi32>
        %mul3A_70 = arith.constant 8 : i32
        %mul3A_71 = vector.broadcast %mul3A_70 : i32 to vector<16xi32>
        %mul3A_72 = arith.muli %and3A_69, %mul3A_71 : vector<16xi32>
        %add3A_73 = arith.constant 0 : i32
        %add3A_74 = vector.broadcast %add3A_73 : i32 to vector<16xi32>
        %add3A_75 = arith.addi %mul3A_72, %add3A_74 : vector<16xi32>
        tpu.vector_store_idx %arg14[%add3A_64, %add3A_75], %broadcast_in_dim3A_3 : memref<80x128xf32, #tpu.memory_space<vmem>>[vector<16xi32>, vector<16xi32>], vector<16xf32>,
        %add3A_76 = arith.constant 1 : i32
        %add3A_77 = vector.broadcast %add3A_76 : i32 to vector<16xi32>
        %add3A_78 = arith.addi %mul3A_72, %add3A_77 : vector<16xi32>
        tpu.vector_store_idx %arg14[%add3A_64, %add3A_78], %broadcast_in_dim3A_3 : memref<80x128xf32, #tpu.memory_space<vmem>>[vector<16xi32>, vector<16xi32>], vector<16xf32>,
      }
      %scan3A_59 = arith.constant 5 : i32
    }
    %scan3A_16 = arith.constant 250 : i32
    %barrier3A_17 = arith.constant 0 : index
    tpu.barrier barrier_id(%barrier3A_17)
    %mul3A_18 = arith.constant 320 : i32
    %mul3A_19 = arith.muli %arg1, %mul3A_18 : i32
    %mul3A_20 = arith.constant 320 : i32
    %mul3A_21 = arith.muli %arg1, %mul3A_20 : i32
    "tpu.region"() ({
      %run_scoped3A = tpu.sem_alloc : memref<!tpu.dma_semaphore, #tpu.memory_space<semaphore_mem>>
      %dma_start3A = arith.constant 0 : i32
      %dma_start3A_26 = tpu.memref_slice %arg9[%arg0, %mul3A_21, %dma_start3A] : memref<2x5120x128xf32, #tpu.memory_space<hbm>> -> memref<1x320x128xf32, #tpu.memory_space<hbm>>
      %dma_start3A_27 = tpu.memref_squeeze %dma_start3A_26 : memref<1x320x128xf32, #tpu.memory_space<hbm>> -> memref<320x128xf32, #tpu.memory_space<hbm>>
      %dma_start3A_28 = arith.constant 0 : i32
      %dma_start3A_29 = tpu.memref_slice %arg19[%mul3A_19, %dma_start3A_28] : memref<5120x128xf32, #tpu.memory_space<vmem_shared>> -> memref<320x128xf32, #tpu.memory_space<vmem_shared>>
      tpu.enqueue_dma source(%dma_start3A_29 : memref<320x128xf32, #tpu.memory_space<vmem_shared>>) target(%dma_start3A_27 : memref<320x128xf32, #tpu.memory_space<hbm>>) target_semaphore(%run_scoped3A : memref<!tpu.dma_semaphore, #tpu.memory_space<semaphore_mem>>)
      %dma_wait3A = arith.constant 0 : i32
      %dma_wait3A_30 = tpu.memref_slice %arg9[%arg0, %mul3A_21, %dma_wait3A] : memref<2x5120x128xf32, #tpu.memory_space<hbm>> -> memref<1x320x128xf32, #tpu.memory_space<hbm>>
      %dma_wait3A_31 = tpu.memref_squeeze %dma_wait3A_30 : memref<1x320x128xf32, #tpu.memory_space<hbm>> -> memref<320x128xf32, #tpu.memory_space<hbm>>
      %dma_wait3A_32 = arith.constant 0 : i32
      %dma_wait3A_33 = tpu.memref_slice %arg19[%mul3A_19, %dma_wait3A_32] : memref<5120x128xf32, #tpu.memory_space<vmem_shared>> -> memref<320x128xf32, #tpu.memory_space<vmem_shared>>
      tpu.wait_dma2 semaphore(%run_scoped3A : memref<!tpu.dma_semaphore, #tpu.memory_space<semaphore_mem>>) src(%dma_wait3A_33 : memref<320x128xf32, #tpu.memory_space<vmem_shared>>) dst(%dma_wait3A_31 : memref<320x128xf32, #tpu.memory_space<hbm>>)
      tpu.yield
    }) : () -> ()
    %mul3A_22 = arith.constant 40 : i32
    %mul3A_23 = arith.muli %arg1, %mul3A_22 : i32
    %mul3A_24 = arith.constant 40 : i32
    %mul3A_25 = arith.muli %arg1, %mul3A_24 : i32
    "tpu.region"() ({
      %run_scoped3A = tpu.sem_alloc : memref<!tpu.dma_semaphore, #tpu.memory_space<semaphore_mem>>
      %dma_start3A = arith.constant 0 : i32
      %dma_start3A_26 = tpu.memref_slice %arg10[%arg0, %mul3A_25, %dma_start3A] : memref<2x640x128xf32, #tpu.memory_space<hbm>> -> memref<1x40x128xf32, #tpu.memory_space<hbm>>
      %dma_start3A_27 = tpu.memref_squeeze %dma_start3A_26 : memref<1x40x128xf32, #tpu.memory_space<hbm>> -> memref<40x128xf32, #tpu.memory_space<hbm>>
      %dma_start3A_28 = arith.constant 0 : i32
      %dma_start3A_29 = tpu.memref_slice %arg20[%mul3A_23, %dma_start3A_28] : memref<640x128xf32, #tpu.memory_space<vmem_shared>> -> memref<40x128xf32, #tpu.memory_space<vmem_shared>>
      tpu.enqueue_dma source(%dma_start3A_29 : memref<40x128xf32, #tpu.memory_space<vmem_shared>>) target(%dma_start3A_27 : memref<40x128xf32, #tpu.memory_space<hbm>>) target_semaphore(%run_scoped3A : memref<!tpu.dma_semaphore, #tpu.memory_space<semaphore_mem>>)
      %dma_wait3A = arith.constant 0 : i32
      %dma_wait3A_30 = tpu.memref_slice %arg10[%arg0, %mul3A_25, %dma_wait3A] : memref<2x640x128xf32, #tpu.memory_space<hbm>> -> memref<1x40x128xf32, #tpu.memory_space<hbm>>
      %dma_wait3A_31 = tpu.memref_squeeze %dma_wait3A_30 : memref<1x40x128xf32, #tpu.memory_space<hbm>> -> memref<40x128xf32, #tpu.memory_space<hbm>>
      %dma_wait3A_32 = arith.constant 0 : i32
      %dma_wait3A_33 = tpu.memref_slice %arg20[%mul3A_23, %dma_wait3A_32] : memref<640x128xf32, #tpu.memory_space<vmem_shared>> -> memref<40x128xf32, #tpu.memory_space<vmem_shared>>
      tpu.wait_dma2 semaphore(%run_scoped3A : memref<!tpu.dma_semaphore, #tpu.memory_space<semaphore_mem>>) src(%dma_wait3A_33 : memref<40x128xf32, #tpu.memory_space<vmem_shared>>) dst(%dma_wait3A_31 : memref<40x128xf32, #tpu.memory_space<hbm>>)
      tpu.yield
    }) : () -> ()
    return
  }
}

#map = affine_map<(d0, d1) -> (0, 0)>
#map1 = affine_map<(d0, d1) -> (0)>
#map2 = affine_map<(d0, d1) -> (0, 0, 0)>
module attributes {stable_mosaic.version = 14 : i64} {
  func.func @_edge_body(%arg0: i32, %arg1: i32, %arg2: memref<10000x128xf32, #tpu.memory_space<hbm>>, %arg3: memref<10000x256xf32, #tpu.memory_space<hbm>>, %arg4: memref<10000x256xf32, #tpu.memory_space<hbm>>, %arg5: memref<320000xi32, #tpu.memory_space<hbm>>, %arg6: memref<320000xi32, #tpu.memory_space<hbm>>, %arg7: memref<320x128xf32, #tpu.memory_space<hbm>>, %arg8: memref<40x128xf32, #tpu.memory_space<hbm>>, %arg9: memref<2x5120x128xf32, #tpu.memory_space<hbm>>, %arg10: memref<2x640x128xf32, #tpu.memory_space<hbm>>, %arg11: memref<80x128xf32, #tpu.memory_space<vmem>>, %arg12: memref<80x256xf32, #tpu.memory_space<vmem>>, %arg13: memref<80x128xf32, #tpu.memory_space<vmem>>, %arg14: memref<80x128xf32, #tpu.memory_space<vmem>>, %arg15: memref<80xi32, #tpu.memory_space<vmem>>, %arg16: memref<80xi32, #tpu.memory_space<vmem>>, %arg17: memref<80xi32, #tpu.memory_space<vmem>>, %arg18: memref<80xi32, #tpu.memory_space<vmem>>, %arg19: memref<5120x128xf32, #tpu.memory_space<vmem_shared>>, %arg20: memref<640x128xf32, #tpu.memory_space<vmem_shared>>, %arg21: memref<!tpu.dma_semaphore, #tpu.memory_space<semaphore_mem>>, %arg22: memref<!tpu.dma_semaphore, #tpu.memory_space<semaphore_mem>>) attributes {dimension_semantics = [#tpu.dimension_semantics<core_parallel>, #tpu.dimension_semantics<subcore_parallel>], iteration_bounds = array<i64: 2, 16>, scalar_prefetch = 0 : i64, scratch_operands = 12 : i64, tpu.core_type = #tpu.core_type<sc_vector_subcore>, window_params = [{transform_indices = #map}, {transform_indices = #map}, {transform_indices = #map}, {transform_indices = #map1}, {transform_indices = #map1}, {transform_indices = #map}, {transform_indices = #map}, {transform_indices = #map2}, {transform_indices = #map2}]} {
    %mul3A = arith.constant 320 : i32
    %mul3A_0 = arith.muli %arg1, %mul3A : i32
    "tpu.region"() ({
      %run_scoped3A = tpu.sem_alloc : memref<!tpu.dma_semaphore, #tpu.memory_space<semaphore_mem>>
      %dma_start3A = arith.constant 0 : i32
      %dma_start3A_26 = tpu.memref_slice %arg19[%mul3A_0, %dma_start3A] : memref<5120x128xf32, #tpu.memory_space<vmem_shared>> -> memref<320x128xf32, #tpu.memory_space<vmem_shared>>
      tpu.enqueue_dma source(%arg7 : memref<320x128xf32, #tpu.memory_space<hbm>>) target(%dma_start3A_26 : memref<320x128xf32, #tpu.memory_space<vmem_shared>>) target_semaphore(%run_scoped3A : memref<!tpu.dma_semaphore, #tpu.memory_space<semaphore_mem>>)
      %dma_wait3A = arith.constant 0 : i32
      %dma_wait3A_27 = tpu.memref_slice %arg19[%mul3A_0, %dma_wait3A] : memref<5120x128xf32, #tpu.memory_space<vmem_shared>> -> memref<320x128xf32, #tpu.memory_space<vmem_shared>>
      tpu.wait_dma2 semaphore(%run_scoped3A : memref<!tpu.dma_semaphore, #tpu.memory_space<semaphore_mem>>) src(%arg7 : memref<320x128xf32, #tpu.memory_space<hbm>>) dst(%dma_wait3A_27 : memref<320x128xf32, #tpu.memory_space<vmem_shared>>)
      tpu.yield
    }) : () -> ()
    %mul3A_1 = arith.constant 40 : i32
    %mul3A_2 = arith.muli %arg1, %mul3A_1 : i32
    "tpu.region"() ({
      %run_scoped3A = tpu.sem_alloc : memref<!tpu.dma_semaphore, #tpu.memory_space<semaphore_mem>>
      %dma_start3A = arith.constant 0 : i32
      %dma_start3A_26 = tpu.memref_slice %arg20[%mul3A_2, %dma_start3A] : memref<640x128xf32, #tpu.memory_space<vmem_shared>> -> memref<40x128xf32, #tpu.memory_space<vmem_shared>>
      tpu.enqueue_dma source(%arg8 : memref<40x128xf32, #tpu.memory_space<hbm>>) target(%dma_start3A_26 : memref<40x128xf32, #tpu.memory_space<vmem_shared>>) target_semaphore(%run_scoped3A : memref<!tpu.dma_semaphore, #tpu.memory_space<semaphore_mem>>)
      %dma_wait3A = arith.constant 0 : i32
      %dma_wait3A_27 = tpu.memref_slice %arg20[%mul3A_2, %dma_wait3A] : memref<640x128xf32, #tpu.memory_space<vmem_shared>> -> memref<40x128xf32, #tpu.memory_space<vmem_shared>>
      tpu.wait_dma2 semaphore(%run_scoped3A : memref<!tpu.dma_semaphore, #tpu.memory_space<semaphore_mem>>) src(%arg8 : memref<40x128xf32, #tpu.memory_space<hbm>>) dst(%dma_wait3A_27 : memref<40x128xf32, #tpu.memory_space<vmem_shared>>)
      tpu.yield
    }) : () -> ()
    %iota3A = tpu.iota {dimensions = array<i32: 0>} : vector<16xi32>
    %broadcast_in_dim3A = arith.constant 0.000000e+00 : f32
    %broadcast_in_dim3A_3 = vector.broadcast %broadcast_in_dim3A : f32 to vector<16xf32>
    %scan3A = arith.constant 0 : i32
    %scan3A_4 = arith.constant 0 : i32
    %scan3A_5 = arith.constant 80 : i32
    %scan3A_6 = arith.addi %scan3A_4, %scan3A_5 : i32
    %scan3A_7 = arith.constant 1 : i32
    scf.for %scan3A_26 = %scan3A_4 to %scan3A_6 step %scan3A_7  : i32 {
      %swap3A = arith.index_cast %scan3A_26 : i32 to index
      %swap3A_27 = arith.constant 0 : index
      %swap3A_28 = tpu.vector_load %arg14[%swap3A, %swap3A_27] {strides = array<i32>} : memref<80x128xf32, #tpu.memory_space<vmem>>, vector<16xf32>,
      tpu.vector_store %arg14[%swap3A, %swap3A_27], %broadcast_in_dim3A_3 {strides = array<i32>} : memref<80x128xf32, #tpu.memory_space<vmem>>, vector<16xf32>,
      %swap3A_29 = arith.index_cast %scan3A_26 : i32 to index
      %swap3A_30 = arith.constant 16 : index
      %swap3A_31 = tpu.vector_load %arg14[%swap3A_29, %swap3A_30] {strides = array<i32>} : memref<80x128xf32, #tpu.memory_space<vmem>>, vector<16xf32>,
      tpu.vector_store %arg14[%swap3A_29, %swap3A_30], %broadcast_in_dim3A_3 {strides = array<i32>} : memref<80x128xf32, #tpu.memory_space<vmem>>, vector<16xf32>,
      %swap3A_32 = arith.index_cast %scan3A_26 : i32 to index
      %swap3A_33 = arith.constant 32 : index
      %swap3A_34 = tpu.vector_load %arg14[%swap3A_32, %swap3A_33] {strides = array<i32>} : memref<80x128xf32, #tpu.memory_space<vmem>>, vector<16xf32>,
      tpu.vector_store %arg14[%swap3A_32, %swap3A_33], %broadcast_in_dim3A_3 {strides = array<i32>} : memref<80x128xf32, #tpu.memory_space<vmem>>, vector<16xf32>,
      %swap3A_35 = arith.index_cast %scan3A_26 : i32 to index
      %swap3A_36 = arith.constant 48 : index
      %swap3A_37 = tpu.vector_load %arg14[%swap3A_35, %swap3A_36] {strides = array<i32>} : memref<80x128xf32, #tpu.memory_space<vmem>>, vector<16xf32>,
      tpu.vector_store %arg14[%swap3A_35, %swap3A_36], %broadcast_in_dim3A_3 {strides = array<i32>} : memref<80x128xf32, #tpu.memory_space<vmem>>, vector<16xf32>,
      %swap3A_38 = arith.index_cast %scan3A_26 : i32 to index
      %swap3A_39 = arith.constant 64 : index
      %swap3A_40 = tpu.vector_load %arg14[%swap3A_38, %swap3A_39] {strides = array<i32>} : memref<80x128xf32, #tpu.memory_space<vmem>>, vector<16xf32>,
      tpu.vector_store %arg14[%swap3A_38, %swap3A_39], %broadcast_in_dim3A_3 {strides = array<i32>} : memref<80x128xf32, #tpu.memory_space<vmem>>, vector<16xf32>,
      %swap3A_41 = arith.index_cast %scan3A_26 : i32 to index
      %swap3A_42 = arith.constant 80 : index
      %swap3A_43 = tpu.vector_load %arg14[%swap3A_41, %swap3A_42] {strides = array<i32>} : memref<80x128xf32, #tpu.memory_space<vmem>>, vector<16xf32>,
      tpu.vector_store %arg14[%swap3A_41, %swap3A_42], %broadcast_in_dim3A_3 {strides = array<i32>} : memref<80x128xf32, #tpu.memory_space<vmem>>, vector<16xf32>,
      %swap3A_44 = arith.index_cast %scan3A_26 : i32 to index
      %swap3A_45 = arith.constant 96 : index
      %swap3A_46 = tpu.vector_load %arg14[%swap3A_44, %swap3A_45] {strides = array<i32>} : memref<80x128xf32, #tpu.memory_space<vmem>>, vector<16xf32>,
      tpu.vector_store %arg14[%swap3A_44, %swap3A_45], %broadcast_in_dim3A_3 {strides = array<i32>} : memref<80x128xf32, #tpu.memory_space<vmem>>, vector<16xf32>,
      %swap3A_47 = arith.index_cast %scan3A_26 : i32 to index
      %swap3A_48 = arith.constant 112 : index
      %swap3A_49 = tpu.vector_load %arg14[%swap3A_47, %swap3A_48] {strides = array<i32>} : memref<80x128xf32, #tpu.memory_space<vmem>>, vector<16xf32>,
      tpu.vector_store %arg14[%swap3A_47, %swap3A_48], %broadcast_in_dim3A_3 {strides = array<i32>} : memref<80x128xf32, #tpu.memory_space<vmem>>, vector<16xf32>,
    }
    %scan3A_8 = arith.constant 80 : i32
    %barrier3A = arith.constant 0 : index
    tpu.barrier barrier_id(%barrier3A)
    %lt3A = arith.constant 1 : i32
    %lt3A_9 = arith.cmpi slt, %arg0, %lt3A : i32
    %jit3A = arith.constant 1.000000e+00 : f32
    %jit3A_10 = arith.constant 0.000000e+00 : f32
    %select_n3A = arith.select %lt3A_9, %jit3A, %jit3A_10 : f32
    %scan3A_11 = arith.constant 0 : i32
    %scan3A_12 = arith.constant 0 : i32
    %scan3A_13 = arith.constant 250 : i32
    %scan3A_14 = arith.addi %scan3A_12, %scan3A_13 : i32
    %scan3A_15 = arith.constant 1 : i32
    scf.for %scan3A_26 = %scan3A_12 to %scan3A_14 step %scan3A_15  : i32 {
      %mul3A_27 = arith.constant 20000 : i32
      %mul3A_28 = arith.muli %arg1, %mul3A_27 : i32
      %mul3A_29 = arith.constant 80 : i32
      %mul3A_30 = arith.muli %scan3A_26, %mul3A_29 : i32
      %add3A = arith.addi %mul3A_28, %mul3A_30 : i32
      %multiple_of3A = tpu.assume_multiple %add3A, 16 : i32
      "tpu.region"() ({
        %run_scoped3A = tpu.sem_alloc : memref<!tpu.dma_semaphore, #tpu.memory_space<semaphore_mem>>
        %dma_start3A_59 = tpu.memref_slice %arg5[%multiple_of3A] : memref<320000xi32, #tpu.memory_space<hbm>> -> memref<80xi32, #tpu.memory_space<hbm>>
        %dma_start3A_60 = tpu.memref_slice %arg5[%multiple_of3A] : memref<320000xi32, #tpu.memory_space<hbm>> -> memref<80xi32, #tpu.memory_space<hbm>>
        tpu.enqueue_dma source(%dma_start3A_60 : memref<80xi32, #tpu.memory_space<hbm>>) target(%arg15 : memref<80xi32, #tpu.memory_space<vmem>>) target_semaphore(%run_scoped3A : memref<!tpu.dma_semaphore, #tpu.memory_space<semaphore_mem>>)
        %dma_wait3A_61 = tpu.memref_slice %arg5[%multiple_of3A] : memref<320000xi32, #tpu.memory_space<hbm>> -> memref<80xi32, #tpu.memory_space<hbm>>
        %dma_wait3A_62 = tpu.memref_slice %arg5[%multiple_of3A] : memref<320000xi32, #tpu.memory_space<hbm>> -> memref<80xi32, #tpu.memory_space<hbm>>
        tpu.wait_dma2 semaphore(%run_scoped3A : memref<!tpu.dma_semaphore, #tpu.memory_space<semaphore_mem>>) src(%dma_wait3A_62 : memref<80xi32, #tpu.memory_space<hbm>>) dst(%arg15 : memref<80xi32, #tpu.memory_space<vmem>>)
        tpu.yield
      }) : () -> ()
      "tpu.region"() ({
        %run_scoped3A = tpu.sem_alloc : memref<!tpu.dma_semaphore, #tpu.memory_space<semaphore_mem>>
        %dma_start3A_59 = tpu.memref_slice %arg6[%multiple_of3A] : memref<320000xi32, #tpu.memory_space<hbm>> -> memref<80xi32, #tpu.memory_space<hbm>>
        %dma_start3A_60 = tpu.memref_slice %arg6[%multiple_of3A] : memref<320000xi32, #tpu.memory_space<hbm>> -> memref<80xi32, #tpu.memory_space<hbm>>
        tpu.enqueue_dma source(%dma_start3A_60 : memref<80xi32, #tpu.memory_space<hbm>>) target(%arg16 : memref<80xi32, #tpu.memory_space<vmem>>) target_semaphore(%run_scoped3A : memref<!tpu.dma_semaphore, #tpu.memory_space<semaphore_mem>>)
        %dma_wait3A_61 = tpu.memref_slice %arg6[%multiple_of3A] : memref<320000xi32, #tpu.memory_space<hbm>> -> memref<80xi32, #tpu.memory_space<hbm>>
        %dma_wait3A_62 = tpu.memref_slice %arg6[%multiple_of3A] : memref<320000xi32, #tpu.memory_space<hbm>> -> memref<80xi32, #tpu.memory_space<hbm>>
        tpu.wait_dma2 semaphore(%run_scoped3A : memref<!tpu.dma_semaphore, #tpu.memory_space<semaphore_mem>>) src(%dma_wait3A_62 : memref<80xi32, #tpu.memory_space<hbm>>) dst(%arg16 : memref<80xi32, #tpu.memory_space<vmem>>)
        tpu.yield
      }) : () -> ()
      %dma_start3A = arith.constant 0 : i32
      %dma_start3A_31 = arith.constant 0 : i32
      %dma_start3A_32 = tpu.memref_slice %arg2[%dma_start3A, %dma_start3A_31] : memref<10000x128xf32, #tpu.memory_space<hbm>> -> memref<10000x128xf32, #tpu.memory_space<hbm>>
      tpu.enqueue_indirect_dma source(%dma_start3A_32 : memref<10000x128xf32, #tpu.memory_space<hbm>>) target(%arg11 : memref<80x128xf32, #tpu.memory_space<vmem>>) offsets(%arg16 : memref<80xi32, #tpu.memory_space<vmem>>) semaphore(%arg21 : memref<!tpu.dma_semaphore, #tpu.memory_space<semaphore_mem>>)
      %dma_start3A_33 = arith.constant 0 : i32
      %dma_start3A_34 = arith.constant 0 : i32
      %dma_start3A_35 = tpu.memref_slice %arg3[%dma_start3A_33, %dma_start3A_34] : memref<10000x256xf32, #tpu.memory_space<hbm>> -> memref<10000x256xf32, #tpu.memory_space<hbm>>
      tpu.enqueue_indirect_dma source(%dma_start3A_35 : memref<10000x256xf32, #tpu.memory_space<hbm>>) target(%arg12 : memref<80x256xf32, #tpu.memory_space<vmem>>) offsets(%arg15 : memref<80xi32, #tpu.memory_space<vmem>>) semaphore(%arg22 : memref<!tpu.dma_semaphore, #tpu.memory_space<semaphore_mem>>)
      %dma_wait3A = arith.constant 0 : i32
      %dma_wait3A_36 = arith.constant 0 : i32
      %dma_wait3A_37 = tpu.memref_slice %arg3[%dma_wait3A, %dma_wait3A_36] : memref<10000x256xf32, #tpu.memory_space<hbm>> -> memref<10000x256xf32, #tpu.memory_space<hbm>>
      tpu.wait_indirect_dma semaphore(%arg22 : memref<!tpu.dma_semaphore, #tpu.memory_space<semaphore_mem>>) src(%dma_wait3A_37 : memref<10000x256xf32, #tpu.memory_space<hbm>>) dst(%arg12 : memref<80x256xf32, #tpu.memory_space<vmem>>)
      %dma_wait3A_38 = arith.constant 0 : i32
      %dma_wait3A_39 = arith.constant 0 : i32
      %dma_wait3A_40 = tpu.memref_slice %arg2[%dma_wait3A_38, %dma_wait3A_39] : memref<10000x128xf32, #tpu.memory_space<hbm>> -> memref<10000x128xf32, #tpu.memory_space<hbm>>
      tpu.wait_indirect_dma semaphore(%arg21 : memref<!tpu.dma_semaphore, #tpu.memory_space<semaphore_mem>>) src(%dma_wait3A_40 : memref<10000x128xf32, #tpu.memory_space<hbm>>) dst(%arg11 : memref<80x128xf32, #tpu.memory_space<vmem>>)
      %scan3A_41 = arith.constant 0 : i32
      %scan3A_42 = arith.constant 0 : i32
      %scan3A_43 = arith.constant 5 : i32
      %scan3A_44 = arith.addi %scan3A_42, %scan3A_43 : i32
      %scan3A_45 = arith.constant 1 : i32
      scf.for %scan3A_59 = %scan3A_42 to %scan3A_44 step %scan3A_45  : i32 {
        %mul3A_60 = arith.constant 16 : i32
        %mul3A_61 = arith.muli %scan3A_59, %mul3A_60 : i32
        %get3A = arith.index_cast %mul3A_61 : i32 to index
        %get3A_62 = tpu.vector_load %arg16[%get3A] {strides = array<i32>} : memref<80xi32, #tpu.memory_space<vmem>>, vector<16xi32>,
        %shift_right_logical3A = arith.constant 1 : i32
        %shift_right_logical3A_63 = vector.broadcast %shift_right_logical3A : i32 to vector<16xi32>
        %shift_right_logical3A_64 = arith.shrui %get3A_62, %shift_right_logical3A_63 : vector<16xi32>
        %mul3A_65 = arith.constant 16 : i32
        %mul3A_66 = arith.muli %scan3A_59, %mul3A_65 : i32
        %swap3A = arith.index_cast %mul3A_66 : i32 to index
        %swap3A_67 = tpu.vector_load %arg17[%swap3A] {strides = array<i32>} : memref<80xi32, #tpu.memory_space<vmem>>, vector<16xi32>,
        tpu.vector_store %arg17[%swap3A], %shift_right_logical3A_64 {strides = array<i32>} : memref<80xi32, #tpu.memory_space<vmem>>, vector<16xi32>,
        %shift_right_logical3A_68 = arith.constant 4 : i32
        %shift_right_logical3A_69 = vector.broadcast %shift_right_logical3A_68 : i32 to vector<16xi32>
        %shift_right_logical3A_70 = arith.shrui %get3A_62, %shift_right_logical3A_69 : vector<16xi32>
        %mul3A_71 = arith.constant 16 : i32
        %mul3A_72 = arith.muli %scan3A_59, %mul3A_71 : i32
        %swap3A_73 = arith.index_cast %mul3A_72 : i32 to index
        %swap3A_74 = tpu.vector_load %arg18[%swap3A_73] {strides = array<i32>} : memref<80xi32, #tpu.memory_space<vmem>>, vector<16xi32>,
        tpu.vector_store %arg18[%swap3A_73], %shift_right_logical3A_70 {strides = array<i32>} : memref<80xi32, #tpu.memory_space<vmem>>, vector<16xi32>,
      }
      %scan3A_46 = arith.constant 5 : i32
      %scan3A_47 = arith.constant 0 : i32
      %scan3A_48 = arith.constant 0 : i32
      %scan3A_49 = arith.constant 5 : i32
      %scan3A_50 = arith.addi %scan3A_48, %scan3A_49 : i32
      %scan3A_51 = arith.constant 1 : i32
      scf.for %scan3A_59 = %scan3A_48 to %scan3A_50 step %scan3A_51  : i32 {
        %mul3A_60 = arith.constant 16 : i32
        %mul3A_61 = arith.muli %scan3A_59, %mul3A_60 : i32
        %add3A_62 = vector.broadcast %mul3A_61 : i32 to vector<16xi32>
        %add3A_63 = arith.addi %iota3A, %add3A_62 : vector<16xi32>
        %mul3A_64 = arith.constant 16 : i32
        %mul3A_65 = arith.muli %scan3A_59, %mul3A_64 : i32
        %get3A = arith.index_cast %mul3A_65 : i32 to index
        %get3A_66 = tpu.vector_load %arg16[%get3A] {strides = array<i32>} : memref<80xi32, #tpu.memory_space<vmem>>, vector<16xi32>,
        %and3A = arith.constant 1 : i32
        %and3A_67 = vector.broadcast %and3A : i32 to vector<16xi32>
        %and3A_68 = arith.andi %get3A_66, %and3A_67 : vector<16xi32>
        %mul3A_69 = arith.constant 64 : i32
        %mul3A_70 = vector.broadcast %mul3A_69 : i32 to vector<16xi32>
        %mul3A_71 = arith.muli %and3A_68, %mul3A_70 : vector<16xi32>
        %sub3A = arith.constant 64 : i32
        %sub3A_72 = vector.broadcast %sub3A : i32 to vector<16xi32>
        %sub3A_73 = arith.subi %sub3A_72, %mul3A_71 : vector<16xi32>
        %and3A_74 = arith.constant 15 : i32
        %and3A_75 = vector.broadcast %and3A_74 : i32 to vector<16xi32>
        %and3A_76 = arith.andi %get3A_66, %and3A_75 : vector<16xi32>
        %mul3A_77 = arith.constant 8 : i32
        %mul3A_78 = vector.broadcast %mul3A_77 : i32 to vector<16xi32>
        %mul3A_79 = arith.muli %and3A_76, %mul3A_78 : vector<16xi32>
        %mul3A_80 = arith.constant 64 : i32
        %mul3A_81 = arith.muli %arg0, %mul3A_80 : i32
        %add3A_82 = arith.constant 128 : i32
        %add3A_83 = arith.addi %add3A_82, %mul3A_81 : i32
        %broadcast_in_dim3A_84 = arith.constant 0.000000e+00 : f32
        %broadcast_in_dim3A_85 = vector.broadcast %broadcast_in_dim3A_84 : f32 to vector<16xf32>
        %scan3A_86 = arith.constant 0 : i32
        %scan3A_87 = arith.constant 0 : i32
        %scan3A_88 = arith.constant 128 : i32
        %scan3A_89 = arith.addi %scan3A_87, %scan3A_88 : i32
        %scan3A_90 = arith.constant 1 : i32
        %scan3A_91 = scf.for %scan3A_107 = %scan3A_87 to %scan3A_89 step %scan3A_90 iter_args(%scan3A_108 = %broadcast_in_dim3A_85) -> (vector<16xf32>)  : i32 {
          %broadcast_in_dim3A_109 = arith.constant 0 : i32
          %broadcast_in_dim3A_110 = vector.broadcast %broadcast_in_dim3A_109 : i32 to vector<16xi32>
          %add3A_111 = vector.broadcast %scan3A_86 : i32 to vector<16xi32>
          %add3A_112 = arith.addi %broadcast_in_dim3A_110, %add3A_111 : vector<16xi32>
          %add3A_113 = vector.broadcast %scan3A_107 : i32 to vector<16xi32>
          %add3A_114 = arith.addi %add3A_112, %add3A_113 : vector<16xi32>
          %gather3A = tpu.vector_load_idx %arg11[%add3A_63, %add3A_114] : memref<80x128xf32, #tpu.memory_space<vmem>>[vector<16xi32>, vector<16xi32>], vector<16xf32>,
          %broadcast_in_dim3A_115 = arith.constant 0 : i32
          %broadcast_in_dim3A_116 = vector.broadcast %broadcast_in_dim3A_115 : i32 to vector<16xi32>
          %add3A_117 = vector.broadcast %scan3A_107 : i32 to vector<16xi32>
          %add3A_118 = arith.addi %broadcast_in_dim3A_116, %add3A_117 : vector<16xi32>
          %gather3A_119 = tpu.vector_load_idx %arg12[%add3A_63, %add3A_118] : memref<80x256xf32, #tpu.memory_space<vmem>>[vector<16xi32>, vector<16xi32>], vector<16xf32>,
          %mul3A_120 = arith.mulf %gather3A, %gather3A_119 : vector<16xf32>
          %add3A_121 = arith.addf %scan3A_108, %mul3A_120 : vector<16xf32>
          scf.yield %add3A_121 : vector<16xf32>
        }
        %scan3A_92 = arith.constant 128 : i32
        %mul3A_93 = arith.constant 0.0883883461 : f32
        %mul3A_94 = vector.broadcast %mul3A_93 : f32 to vector<16xf32>
        %mul3A_95 = arith.mulf %scan3A_91, %mul3A_94 : vector<16xf32>
        %exp3A = math.exp %mul3A_95 : vector<16xf32>
        %add3A_96 = arith.constant 0 : i32
        %add3A_97 = vector.broadcast %add3A_96 : i32 to vector<16xi32>
        %add3A_98 = arith.addi %mul3A_79, %add3A_97 : vector<16xi32>
        %mul3A_99 = vector.broadcast %select_n3A : f32 to vector<16xf32>
        %mul3A_100 = arith.mulf %exp3A, %mul3A_99 : vector<16xf32>
        tpu.vector_store_idx %arg14[%add3A_63, %add3A_98], %mul3A_100 : memref<80x128xf32, #tpu.memory_space<vmem>>[vector<16xi32>, vector<16xi32>], vector<16xf32>,
        %scan3A_101 = arith.constant 0 : i32
        %scan3A_102 = arith.constant 0 : i32
        %scan3A_103 = arith.constant 64 : i32
        %scan3A_104 = arith.addi %scan3A_102, %scan3A_103 : i32
        %scan3A_105 = arith.constant 1 : i32
        scf.for %scan3A_107 = %scan3A_102 to %scan3A_104 step %scan3A_105  : i32 {
          %broadcast_in_dim3A_108 = arith.constant 0 : i32
          %broadcast_in_dim3A_109 = vector.broadcast %broadcast_in_dim3A_108 : i32 to vector<16xi32>
          %add3A_110 = vector.broadcast %add3A_83 : i32 to vector<16xi32>
          %add3A_111 = arith.addi %broadcast_in_dim3A_109, %add3A_110 : vector<16xi32>
          %add3A_112 = vector.broadcast %scan3A_107 : i32 to vector<16xi32>
          %add3A_113 = arith.addi %add3A_111, %add3A_112 : vector<16xi32>
          %gather3A = tpu.vector_load_idx %arg12[%add3A_63, %add3A_113] : memref<80x256xf32, #tpu.memory_space<vmem>>[vector<16xi32>, vector<16xi32>], vector<16xf32>,
          %broadcast_in_dim3A_114 = arith.constant 0 : i32
          %broadcast_in_dim3A_115 = vector.broadcast %broadcast_in_dim3A_114 : i32 to vector<16xi32>
          %add3A_116 = vector.broadcast %scan3A_107 : i32 to vector<16xi32>
          %add3A_117 = arith.addi %broadcast_in_dim3A_115, %add3A_116 : vector<16xi32>
          %add3A_118 = arith.addi %mul3A_71, %add3A_117 : vector<16xi32>
          %mul3A_119 = arith.mulf %gather3A, %exp3A : vector<16xf32>
          tpu.vector_store_idx %arg13[%add3A_63, %add3A_118], %mul3A_119 : memref<80x128xf32, #tpu.memory_space<vmem>>[vector<16xi32>, vector<16xi32>], vector<16xf32>,
          %add3A_120 = arith.addi %sub3A_73, %add3A_117 : vector<16xi32>
          tpu.vector_store_idx %arg13[%add3A_63, %add3A_120], %broadcast_in_dim3A_3 : memref<80x128xf32, #tpu.memory_space<vmem>>[vector<16xi32>, vector<16xi32>], vector<16xf32>,
        }
        %scan3A_106 = arith.constant 64 : i32
      }
      %scan3A_52 = arith.constant 5 : i32
      "tpu.region"() ({
        %run_scoped3A = tpu.sem_alloc : memref<!tpu.dma_semaphore, #tpu.memory_space<semaphore_mem>>
        %dma_start3A_59 = arith.constant 0 : i32
        %dma_start3A_60 = arith.constant 0 : i32
        %dma_start3A_61 = tpu.memref_slice %arg19[%dma_start3A_59, %dma_start3A_60] : memref<5120x128xf32, #tpu.memory_space<vmem_shared>> -> memref<5120x128xf32, #tpu.memory_space<vmem_shared>>
        tpu.enqueue_indirect_dma source(%arg13 : memref<80x128xf32, #tpu.memory_space<vmem>>) target(%dma_start3A_61 : memref<5120x128xf32, #tpu.memory_space<vmem_shared>>) offsets(%arg17 : memref<80xi32, #tpu.memory_space<vmem>>) semaphore(%run_scoped3A : memref<!tpu.dma_semaphore, #tpu.memory_space<semaphore_mem>>) {add = true}
        %dma_wait3A_62 = arith.constant 0 : i32
        %dma_wait3A_63 = arith.constant 0 : i32
        %dma_wait3A_64 = tpu.memref_slice %arg19[%dma_wait3A_62, %dma_wait3A_63] : memref<5120x128xf32, #tpu.memory_space<vmem_shared>> -> memref<5120x128xf32, #tpu.memory_space<vmem_shared>>
        tpu.wait_indirect_dma semaphore(%run_scoped3A : memref<!tpu.dma_semaphore, #tpu.memory_space<semaphore_mem>>) src(%arg13 : memref<80x128xf32, #tpu.memory_space<vmem>>) dst(%dma_wait3A_64 : memref<5120x128xf32, #tpu.memory_space<vmem_shared>>)
        tpu.yield
      }) : () -> ()
      "tpu.region"() ({
        %run_scoped3A = tpu.sem_alloc : memref<!tpu.dma_semaphore, #tpu.memory_space<semaphore_mem>>
        %dma_start3A_59 = arith.constant 0 : i32
        %dma_start3A_60 = arith.constant 0 : i32
        %dma_start3A_61 = tpu.memref_slice %arg20[%dma_start3A_59, %dma_start3A_60] : memref<640x128xf32, #tpu.memory_space<vmem_shared>> -> memref<640x128xf32, #tpu.memory_space<vmem_shared>>
        tpu.enqueue_indirect_dma source(%arg14 : memref<80x128xf32, #tpu.memory_space<vmem>>) target(%dma_start3A_61 : memref<640x128xf32, #tpu.memory_space<vmem_shared>>) offsets(%arg18 : memref<80xi32, #tpu.memory_space<vmem>>) semaphore(%run_scoped3A : memref<!tpu.dma_semaphore, #tpu.memory_space<semaphore_mem>>) {add = true}
        %dma_wait3A_62 = arith.constant 0 : i32
        %dma_wait3A_63 = arith.constant 0 : i32
        %dma_wait3A_64 = tpu.memref_slice %arg20[%dma_wait3A_62, %dma_wait3A_63] : memref<640x128xf32, #tpu.memory_space<vmem_shared>> -> memref<640x128xf32, #tpu.memory_space<vmem_shared>>
        tpu.wait_indirect_dma semaphore(%run_scoped3A : memref<!tpu.dma_semaphore, #tpu.memory_space<semaphore_mem>>) src(%arg14 : memref<80x128xf32, #tpu.memory_space<vmem>>) dst(%dma_wait3A_64 : memref<640x128xf32, #tpu.memory_space<vmem_shared>>)
        tpu.yield
      }) : () -> ()
      %scan3A_53 = arith.constant 0 : i32
      %scan3A_54 = arith.constant 0 : i32
      %scan3A_55 = arith.constant 5 : i32
      %scan3A_56 = arith.addi %scan3A_54, %scan3A_55 : i32
      %scan3A_57 = arith.constant 1 : i32
      scf.for %scan3A_59 = %scan3A_54 to %scan3A_56 step %scan3A_57  : i32 {
        %mul3A_60 = arith.constant 16 : i32
        %mul3A_61 = arith.muli %scan3A_59, %mul3A_60 : i32
        %add3A_62 = vector.broadcast %mul3A_61 : i32 to vector<16xi32>
        %add3A_63 = arith.addi %iota3A, %add3A_62 : vector<16xi32>
        %mul3A_64 = arith.constant 16 : i32
        %mul3A_65 = arith.muli %scan3A_59, %mul3A_64 : i32
        %get3A = arith.index_cast %mul3A_65 : i32 to index
        %get3A_66 = tpu.vector_load %arg16[%get3A] {strides = array<i32>} : memref<80xi32, #tpu.memory_space<vmem>>, vector<16xi32>,
        %and3A = arith.constant 15 : i32
        %and3A_67 = vector.broadcast %and3A : i32 to vector<16xi32>
        %and3A_68 = arith.andi %get3A_66, %and3A_67 : vector<16xi32>
        %mul3A_69 = arith.constant 8 : i32
        %mul3A_70 = vector.broadcast %mul3A_69 : i32 to vector<16xi32>
        %mul3A_71 = arith.muli %and3A_68, %mul3A_70 : vector<16xi32>
        %add3A_72 = arith.constant 0 : i32
        %add3A_73 = vector.broadcast %add3A_72 : i32 to vector<16xi32>
        %add3A_74 = arith.addi %mul3A_71, %add3A_73 : vector<16xi32>
        tpu.vector_store_idx %arg14[%add3A_63, %add3A_74], %broadcast_in_dim3A_3 : memref<80x128xf32, #tpu.memory_space<vmem>>[vector<16xi32>, vector<16xi32>], vector<16xf32>,
      }
      %scan3A_58 = arith.constant 5 : i32
    }
    %scan3A_16 = arith.constant 250 : i32
    %barrier3A_17 = arith.constant 0 : index
    tpu.barrier barrier_id(%barrier3A_17)
    %mul3A_18 = arith.constant 320 : i32
    %mul3A_19 = arith.muli %arg1, %mul3A_18 : i32
    %mul3A_20 = arith.constant 320 : i32
    %mul3A_21 = arith.muli %arg1, %mul3A_20 : i32
    "tpu.region"() ({
      %run_scoped3A = tpu.sem_alloc : memref<!tpu.dma_semaphore, #tpu.memory_space<semaphore_mem>>
      %dma_start3A = arith.constant 0 : i32
      %dma_start3A_26 = tpu.memref_slice %arg9[%arg0, %mul3A_21, %dma_start3A] : memref<2x5120x128xf32, #tpu.memory_space<hbm>> -> memref<1x320x128xf32, #tpu.memory_space<hbm>>
      %dma_start3A_27 = tpu.memref_squeeze %dma_start3A_26 : memref<1x320x128xf32, #tpu.memory_space<hbm>> -> memref<320x128xf32, #tpu.memory_space<hbm>>
      %dma_start3A_28 = arith.constant 0 : i32
      %dma_start3A_29 = tpu.memref_slice %arg19[%mul3A_19, %dma_start3A_28] : memref<5120x128xf32, #tpu.memory_space<vmem_shared>> -> memref<320x128xf32, #tpu.memory_space<vmem_shared>>
      tpu.enqueue_dma source(%dma_start3A_29 : memref<320x128xf32, #tpu.memory_space<vmem_shared>>) target(%dma_start3A_27 : memref<320x128xf32, #tpu.memory_space<hbm>>) target_semaphore(%run_scoped3A : memref<!tpu.dma_semaphore, #tpu.memory_space<semaphore_mem>>)
      %dma_wait3A = arith.constant 0 : i32
      %dma_wait3A_30 = tpu.memref_slice %arg9[%arg0, %mul3A_21, %dma_wait3A] : memref<2x5120x128xf32, #tpu.memory_space<hbm>> -> memref<1x320x128xf32, #tpu.memory_space<hbm>>
      %dma_wait3A_31 = tpu.memref_squeeze %dma_wait3A_30 : memref<1x320x128xf32, #tpu.memory_space<hbm>> -> memref<320x128xf32, #tpu.memory_space<hbm>>
      %dma_wait3A_32 = arith.constant 0 : i32
      %dma_wait3A_33 = tpu.memref_slice %arg19[%mul3A_19, %dma_wait3A_32] : memref<5120x128xf32, #tpu.memory_space<vmem_shared>> -> memref<320x128xf32, #tpu.memory_space<vmem_shared>>
      tpu.wait_dma2 semaphore(%run_scoped3A : memref<!tpu.dma_semaphore, #tpu.memory_space<semaphore_mem>>) src(%dma_wait3A_33 : memref<320x128xf32, #tpu.memory_space<vmem_shared>>) dst(%dma_wait3A_31 : memref<320x128xf32, #tpu.memory_space<hbm>>)
      tpu.yield
    }) : () -> ()
    %mul3A_22 = arith.constant 40 : i32
    %mul3A_23 = arith.muli %arg1, %mul3A_22 : i32
    %mul3A_24 = arith.constant 40 : i32
    %mul3A_25 = arith.muli %arg1, %mul3A_24 : i32
    "tpu.region"() ({
      %run_scoped3A = tpu.sem_alloc : memref<!tpu.dma_semaphore, #tpu.memory_space<semaphore_mem>>
      %dma_start3A = arith.constant 0 : i32
      %dma_start3A_26 = tpu.memref_slice %arg10[%arg0, %mul3A_25, %dma_start3A] : memref<2x640x128xf32, #tpu.memory_space<hbm>> -> memref<1x40x128xf32, #tpu.memory_space<hbm>>
      %dma_start3A_27 = tpu.memref_squeeze %dma_start3A_26 : memref<1x40x128xf32, #tpu.memory_space<hbm>> -> memref<40x128xf32, #tpu.memory_space<hbm>>
      %dma_start3A_28 = arith.constant 0 : i32
      %dma_start3A_29 = tpu.memref_slice %arg20[%mul3A_23, %dma_start3A_28] : memref<640x128xf32, #tpu.memory_space<vmem_shared>> -> memref<40x128xf32, #tpu.memory_space<vmem_shared>>
      tpu.enqueue_dma source(%dma_start3A_29 : memref<40x128xf32, #tpu.memory_space<vmem_shared>>) target(%dma_start3A_27 : memref<40x128xf32, #tpu.memory_space<hbm>>) target_semaphore(%run_scoped3A : memref<!tpu.dma_semaphore, #tpu.memory_space<semaphore_mem>>)
      %dma_wait3A = arith.constant 0 : i32
      %dma_wait3A_30 = tpu.memref_slice %arg10[%arg0, %mul3A_25, %dma_wait3A] : memref<2x640x128xf32, #tpu.memory_space<hbm>> -> memref<1x40x128xf32, #tpu.memory_space<hbm>>
      %dma_wait3A_31 = tpu.memref_squeeze %dma_wait3A_30 : memref<1x40x128xf32, #tpu.memory_space<hbm>> -> memref<40x128xf32, #tpu.memory_space<hbm>>
      %dma_wait3A_32 = arith.constant 0 : i32
      %dma_wait3A_33 = tpu.memref_slice %arg20[%mul3A_23, %dma_wait3A_32] : memref<640x128xf32, #tpu.memory_space<vmem_shared>> -> memref<40x128xf32, #tpu.memory_space<vmem_shared>>
      tpu.wait_dma2 semaphore(%run_scoped3A : memref<!tpu.dma_semaphore, #tpu.memory_space<semaphore_mem>>) src(%dma_wait3A_33 : memref<40x128xf32, #tpu.memory_space<vmem_shared>>) dst(%dma_wait3A_31 : memref<40x128xf32, #tpu.memory_space<hbm>>)
      tpu.yield
    }) : () -> ()
    return
  }
}

module attributes {stable_mosaic.version = 14 : i64} {
  func.func @_proj_body(%arg0: i32, %arg1: memref<1000x128xf32, #tpu.memory_space<vmem>>, %arg2: memref<128x128xf32, #tpu.memory_space<vmem>>, %arg3: memref<1x128xf32, #tpu.memory_space<vmem>>, %arg4: memref<128x128xf32, #tpu.memory_space<vmem>>, %arg5: memref<1x128xf32, #tpu.memory_space<vmem>>, %arg6: memref<128x128xf32, #tpu.memory_space<vmem>>, %arg7: memref<1x128xf32, #tpu.memory_space<vmem>>, %arg8: memref<128x128xf32, #tpu.memory_space<vmem>>, %arg9: memref<1x128xf32, #tpu.memory_space<vmem>>, %arg10: memref<1000x128xf32, #tpu.memory_space<vmem>>, %arg11: memref<1000x128xf32, #tpu.memory_space<vmem>>, %arg12: memref<1000x128xf32, #tpu.memory_space<vmem>>, %arg13: memref<1000x128xf32, #tpu.memory_space<vmem>>) attributes {dimension_semantics = [#tpu.dimension_semantics<arbitrary>], iteration_bounds = array<i64: 10>, scalar_prefetch = 0 : i64, scratch_operands = 0 : i64, tpu.core_type = #tpu.core_type<tc>, window_params = [{transform_indices = @transform_0, window_bounds = array<i64: 1000, 128>}, {pipeline_mode = #tpu.pipeline_mode<synchronous>, transform_indices = @transform_1, window_bounds = array<i64: 128, 128>}, {pipeline_mode = #tpu.pipeline_mode<synchronous>, transform_indices = @transform_2, window_bounds = array<i64: 1, 128>}, {pipeline_mode = #tpu.pipeline_mode<synchronous>, transform_indices = @transform_3, window_bounds = array<i64: 128, 128>}, {pipeline_mode = #tpu.pipeline_mode<synchronous>, transform_indices = @transform_4, window_bounds = array<i64: 1, 128>}, {pipeline_mode = #tpu.pipeline_mode<synchronous>, transform_indices = @transform_5, window_bounds = array<i64: 128, 128>}, {pipeline_mode = #tpu.pipeline_mode<synchronous>, transform_indices = @transform_6, window_bounds = array<i64: 1, 128>}, {pipeline_mode = #tpu.pipeline_mode<synchronous>, transform_indices = @transform_7, window_bounds = array<i64: 128, 128>}, {pipeline_mode = #tpu.pipeline_mode<synchronous>, transform_indices = @transform_8, window_bounds = array<i64: 1, 128>}, {transform_indices = @transform_9, window_bounds = array<i64: 1000, 128>}, {transform_indices = @transform_10, window_bounds = array<i64: 1000, 128>}, {transform_indices = @transform_11, window_bounds = array<i64: 1000, 128>}, {transform_indices = @transform_12, window_bounds = array<i64: 1000, 128>}]} {
    %get3A = arith.constant 0 : index
    %get3A_0 = arith.constant 0 : index
    %get3A_1 = vector.load %arg1[%get3A, %get3A_0] : memref<1000x128xf32, #tpu.memory_space<vmem>>, vector<1000x128xf32>
    %get3A_2 = arith.constant 0 : index
    %get3A_3 = arith.constant 0 : index
    %get3A_4 = vector.load %arg2[%get3A_2, %get3A_3] : memref<128x128xf32, #tpu.memory_space<vmem>>, vector<128x128xf32>
    %dot_general3A = arith.constant dense<0.000000e+00> : vector<1000x128xf32>
    %dot_general3A_5 = tpu.matmul %get3A_1, %get3A_4, %dot_general3A {dimension_numbers = #tpu.dot_dimension_numbers<[1], [0], [0], [1], [0, 0, 1, 1], [], []>, transpose_lhs_hint = false} : vector<1000x128xf32>, vector<128x128xf32>, vector<1000x128xf32> -> vector<1000x128xf32>
    %get3A_6 = arith.constant 0 : index
    %get3A_7 = arith.constant 0 : index
    %get3A_8 = vector.load %arg3[%get3A_6, %get3A_7] : memref<1x128xf32, #tpu.memory_space<vmem>>, vector<1x128xf32>
    %add3A = vector.broadcast %get3A_8 : vector<1x128xf32> to vector<1000x128xf32>
    %add3A_9 = arith.addf %dot_general3A_5, %add3A : vector<1000x128xf32>
    %get3A_10 = arith.constant 0 : index
    %get3A_11 = arith.constant 0 : index
    %get3A_12 = vector.load %arg4[%get3A_10, %get3A_11] : memref<128x128xf32, #tpu.memory_space<vmem>>, vector<128x128xf32>
    %dot_general3A_13 = arith.constant dense<0.000000e+00> : vector<1000x128xf32>
    %dot_general3A_14 = tpu.matmul %get3A_1, %get3A_12, %dot_general3A_13 {dimension_numbers = #tpu.dot_dimension_numbers<[1], [0], [0], [1], [0, 0, 1, 1], [], []>, transpose_lhs_hint = false} : vector<1000x128xf32>, vector<128x128xf32>, vector<1000x128xf32> -> vector<1000x128xf32>
    %get3A_15 = arith.constant 0 : index
    %get3A_16 = arith.constant 0 : index
    %get3A_17 = vector.load %arg5[%get3A_15, %get3A_16] : memref<1x128xf32, #tpu.memory_space<vmem>>, vector<1x128xf32>
    %add3A_18 = vector.broadcast %get3A_17 : vector<1x128xf32> to vector<1000x128xf32>
    %add3A_19 = arith.addf %dot_general3A_14, %add3A_18 : vector<1000x128xf32>
    %get3A_20 = arith.constant 0 : index
    %get3A_21 = arith.constant 0 : index
    %get3A_22 = vector.load %arg6[%get3A_20, %get3A_21] : memref<128x128xf32, #tpu.memory_space<vmem>>, vector<128x128xf32>
    %dot_general3A_23 = arith.constant dense<0.000000e+00> : vector<1000x128xf32>
    %dot_general3A_24 = tpu.matmul %get3A_1, %get3A_22, %dot_general3A_23 {dimension_numbers = #tpu.dot_dimension_numbers<[1], [0], [0], [1], [0, 0, 1, 1], [], []>, transpose_lhs_hint = false} : vector<1000x128xf32>, vector<128x128xf32>, vector<1000x128xf32> -> vector<1000x128xf32>
    %get3A_25 = arith.constant 0 : index
    %get3A_26 = arith.constant 0 : index
    %get3A_27 = vector.load %arg7[%get3A_25, %get3A_26] : memref<1x128xf32, #tpu.memory_space<vmem>>, vector<1x128xf32>
    %add3A_28 = vector.broadcast %get3A_27 : vector<1x128xf32> to vector<1000x128xf32>
    %add3A_29 = arith.addf %dot_general3A_24, %add3A_28 : vector<1000x128xf32>
    %swap3A = arith.constant 0 : index
    %swap3A_30 = arith.constant 0 : index
    %swap3A_31 = vector.load %arg10[%swap3A, %swap3A_30] : memref<1000x128xf32, #tpu.memory_space<vmem>>, vector<1000x128xf32>
    tpu.vector_store %arg10[%swap3A, %swap3A_30], %add3A_9 {strides = array<i32>} : memref<1000x128xf32, #tpu.memory_space<vmem>>, vector<1000x128xf32>,
    %slice3A = vector.extract_strided_slice %add3A_19 {offsets = [0, 0], sizes = [1000, 64], strides = [1, 1]} : vector<1000x128xf32> to vector<1000x64xf32>
    %slice3A_32 = vector.extract_strided_slice %add3A_29 {offsets = [0, 0], sizes = [1000, 64], strides = [1, 1]} : vector<1000x128xf32> to vector<1000x64xf32>
    %concatenate3A = tpu.concatenate %slice3A, %slice3A_32 in 1 : vector<1000x64xf32>, vector<1000x64xf32> -> vector<1000x128xf32>
    %swap3A_33 = arith.constant 0 : index
    %swap3A_34 = arith.constant 0 : index
    %swap3A_35 = vector.load %arg11[%swap3A_33, %swap3A_34] : memref<1000x128xf32, #tpu.memory_space<vmem>>, vector<1000x128xf32>
    tpu.vector_store %arg11[%swap3A_33, %swap3A_34], %concatenate3A {strides = array<i32>} : memref<1000x128xf32, #tpu.memory_space<vmem>>, vector<1000x128xf32>,
    %slice3A_36 = vector.extract_strided_slice %add3A_19 {offsets = [0, 64], sizes = [1000, 64], strides = [1, 1]} : vector<1000x128xf32> to vector<1000x64xf32>
    %slice3A_37 = vector.extract_strided_slice %add3A_29 {offsets = [0, 64], sizes = [1000, 64], strides = [1, 1]} : vector<1000x128xf32> to vector<1000x64xf32>
    %concatenate3A_38 = tpu.concatenate %slice3A_36, %slice3A_37 in 1 : vector<1000x64xf32>, vector<1000x64xf32> -> vector<1000x128xf32>
    %swap3A_39 = arith.constant 0 : index
    %swap3A_40 = arith.constant 0 : index
    %swap3A_41 = vector.load %arg12[%swap3A_39, %swap3A_40] : memref<1000x128xf32, #tpu.memory_space<vmem>>, vector<1000x128xf32>
    tpu.vector_store %arg12[%swap3A_39, %swap3A_40], %concatenate3A_38 {strides = array<i32>} : memref<1000x128xf32, #tpu.memory_space<vmem>>, vector<1000x128xf32>,
    %get3A_42 = arith.constant 0 : index
    %get3A_43 = arith.constant 0 : index
    %get3A_44 = vector.load %arg8[%get3A_42, %get3A_43] : memref<128x128xf32, #tpu.memory_space<vmem>>, vector<128x128xf32>
    %dot_general3A_45 = arith.constant dense<0.000000e+00> : vector<1000x128xf32>
    %dot_general3A_46 = tpu.matmul %get3A_1, %get3A_44, %dot_general3A_45 {dimension_numbers = #tpu.dot_dimension_numbers<[1], [0], [0], [1], [0, 0, 1, 1], [], []>, transpose_lhs_hint = false} : vector<1000x128xf32>, vector<128x128xf32>, vector<1000x128xf32> -> vector<1000x128xf32>
    %get3A_47 = arith.constant 0 : index
    %get3A_48 = arith.constant 0 : index
    %get3A_49 = vector.load %arg9[%get3A_47, %get3A_48] : memref<1x128xf32, #tpu.memory_space<vmem>>, vector<1x128xf32>
    %add3A_50 = vector.broadcast %get3A_49 : vector<1x128xf32> to vector<1000x128xf32>
    %add3A_51 = arith.addf %dot_general3A_46, %add3A_50 : vector<1000x128xf32>
    %swap3A_52 = arith.constant 0 : index
    %swap3A_53 = arith.constant 0 : index
    %swap3A_54 = vector.load %arg13[%swap3A_52, %swap3A_53] : memref<1000x128xf32, #tpu.memory_space<vmem>>, vector<1000x128xf32>
    tpu.vector_store %arg13[%swap3A_52, %swap3A_53], %add3A_51 {strides = array<i32>} : memref<1000x128xf32, #tpu.memory_space<vmem>>, vector<1000x128xf32>,
    return
  }
  func.func @transform_0(%arg0: i32) -> (i32, i32) {
    %c0_i32 = arith.constant 0 : i32
    %c0_i32_0 = arith.constant 0 : i32
    return %arg0, %c0_i32 : i32, i32
  }
  func.func @transform_1(%arg0: i32) -> (i32, i32) {
    %c0_i32 = arith.constant 0 : i32
    %c0_i32_0 = arith.constant 0 : i32
    %c0_i32_1 = arith.constant 0 : i32
    return %c0_i32, %c0_i32_0 : i32, i32
  }
  func.func @transform_2(%arg0: i32) -> (i32, i32) {
    %c0_i32 = arith.constant 0 : i32
    %c0_i32_0 = arith.constant 0 : i32
    %c0_i32_1 = arith.constant 0 : i32
    return %c0_i32, %c0_i32_0 : i32, i32
  }
  func.func @transform_3(%arg0: i32) -> (i32, i32) {
    %c0_i32 = arith.constant 0 : i32
    %c0_i32_0 = arith.constant 0 : i32
    %c0_i32_1 = arith.constant 0 : i32
    return %c0_i32, %c0_i32_0 : i32, i32
  }
  func.func @transform_4(%arg0: i32) -> (i32, i32) {
    %c0_i32 = arith.constant 0 : i32
    %c0_i32_0 = arith.constant 0 : i32
    %c0_i32_1 = arith.constant 0 : i32
    return %c0_i32, %c0_i32_0 : i32, i32
  }
  func.func @transform_5(%arg0: i32) -> (i32, i32) {
    %c0_i32 = arith.constant 0 : i32
    %c0_i32_0 = arith.constant 0 : i32
    %c0_i32_1 = arith.constant 0 : i32
    return %c0_i32, %c0_i32_0 : i32, i32
  }
  func.func @transform_6(%arg0: i32) -> (i32, i32) {
    %c0_i32 = arith.constant 0 : i32
    %c0_i32_0 = arith.constant 0 : i32
    %c0_i32_1 = arith.constant 0 : i32
    return %c0_i32, %c0_i32_0 : i32, i32
  }
  func.func @transform_7(%arg0: i32) -> (i32, i32) {
    %c0_i32 = arith.constant 0 : i32
    %c0_i32_0 = arith.constant 0 : i32
    %c0_i32_1 = arith.constant 0 : i32
    return %c0_i32, %c0_i32_0 : i32, i32
  }
  func.func @transform_8(%arg0: i32) -> (i32, i32) {
    %c0_i32 = arith.constant 0 : i32
    %c0_i32_0 = arith.constant 0 : i32
    %c0_i32_1 = arith.constant 0 : i32
    return %c0_i32, %c0_i32_0 : i32, i32
  }
  func.func @transform_9(%arg0: i32) -> (i32, i32) {
    %c0_i32 = arith.constant 0 : i32
    %c0_i32_0 = arith.constant 0 : i32
    return %arg0, %c0_i32 : i32, i32
  }
  func.func @transform_10(%arg0: i32) -> (i32, i32) {
    %c0_i32 = arith.constant 0 : i32
    %c0_i32_0 = arith.constant 0 : i32
    return %arg0, %c0_i32 : i32, i32
  }
  func.func @transform_11(%arg0: i32) -> (i32, i32) {
    %c0_i32 = arith.constant 0 : i32
    %c0_i32_0 = arith.constant 0 : i32
    return %arg0, %c0_i32 : i32, i32
  }
  func.func @transform_12(%arg0: i32) -> (i32, i32) {
    %c0_i32 = arith.constant 0 : i32
    %c0_i32_0 = arith.constant 0 : i32
    return %arg0, %c0_i32 : i32, i32
  }
}

module attributes {stable_mosaic.version = 14 : i64} {
  func.func @_comb_proj_body(%arg0: i32, %arg1: memref<1x1000x64xf32, #tpu.memory_space<vmem>>, %arg2: memref<1x1000x64xf32, #tpu.memory_space<vmem>>, %arg3: memref<1x1000x8xf32, #tpu.memory_space<vmem>>, %arg4: memref<1x1000x8xf32, #tpu.memory_space<vmem>>, %arg5: memref<1000x128xf32, #tpu.memory_space<vmem>>, %arg6: memref<8x128xf32, #tpu.memory_space<vmem>>, %arg7: memref<8x128xf32, #tpu.memory_space<vmem>>, %arg8: memref<128x128xf32, #tpu.memory_space<vmem>>, %arg9: memref<1x128xf32, #tpu.memory_space<vmem>>, %arg10: memref<128x128xf32, #tpu.memory_space<vmem>>, %arg11: memref<1x128xf32, #tpu.memory_space<vmem>>, %arg12: memref<128x128xf32, #tpu.memory_space<vmem>>, %arg13: memref<1x128xf32, #tpu.memory_space<vmem>>, %arg14: memref<128x128xf32, #tpu.memory_space<vmem>>, %arg15: memref<1x128xf32, #tpu.memory_space<vmem>>, %arg16: memref<1000x128xf32, #tpu.memory_space<vmem>>, %arg17: memref<1000x256xf32, #tpu.memory_space<vmem>>, %arg18: memref<1000x128xf32, #tpu.memory_space<vmem>>) attributes {dimension_semantics = [#tpu.dimension_semantics<arbitrary>], iteration_bounds = array<i64: 10>, scalar_prefetch = 0 : i64, scratch_operands = 0 : i64, tpu.core_type = #tpu.core_type<tc>, window_params = [{transform_indices = @transform_0, window_bounds = array<i64: 1, 1000, 64>}, {transform_indices = @transform_1, window_bounds = array<i64: 1, 1000, 64>}, {transform_indices = @transform_2, window_bounds = array<i64: 1, 1000, 8>}, {transform_indices = @transform_3, window_bounds = array<i64: 1, 1000, 8>}, {transform_indices = @transform_4, window_bounds = array<i64: 1000, 128>}, {pipeline_mode = #tpu.pipeline_mode<synchronous>, transform_indices = @transform_5, window_bounds = array<i64: 8, 128>}, {pipeline_mode = #tpu.pipeline_mode<synchronous>, transform_indices = @transform_6, window_bounds = array<i64: 8, 128>}, {pipeline_mode = #tpu.pipeline_mode<synchronous>, transform_indices = @transform_7, window_bounds = array<i64: 128, 128>}, {pipeline_mode = #tpu.pipeline_mode<synchronous>, transform_indices = @transform_8, window_bounds = array<i64: 1, 128>}, {pipeline_mode = #tpu.pipeline_mode<synchronous>, transform_indices = @transform_9, window_bounds = array<i64: 128, 128>}, {pipeline_mode = #tpu.pipeline_mode<synchronous>, transform_indices = @transform_10, window_bounds = array<i64: 1, 128>}, {pipeline_mode = #tpu.pipeline_mode<synchronous>, transform_indices = @transform_11, window_bounds = array<i64: 128, 128>}, {pipeline_mode = #tpu.pipeline_mode<synchronous>, transform_indices = @transform_12, window_bounds = array<i64: 1, 128>}, {pipeline_mode = #tpu.pipeline_mode<synchronous>, transform_indices = @transform_13, window_bounds = array<i64: 128, 128>}, {pipeline_mode = #tpu.pipeline_mode<synchronous>, transform_indices = @transform_14, window_bounds = array<i64: 1, 128>}, {transform_indices = @transform_15, window_bounds = array<i64: 1000, 128>}, {transform_indices = @transform_16, window_bounds = array<i64: 1000, 256>}, {transform_indices = @transform_17, window_bounds = array<i64: 1000, 128>}]} {
    %get3A = arith.constant 0 : index
    %get3A_0 = arith.constant 0 : index
    %get3A_1 = arith.constant 0 : index
    %get3A_2 = vector.load %arg1[%get3A, %get3A_0, %get3A_1] : memref<1x1000x64xf32, #tpu.memory_space<vmem>>, vector<1x1000x64xf32>
    %get3A_3 = vector.shape_cast %get3A_2 : vector<1x1000x64xf32> to vector<1000x64xf32>
    %get3A_4 = arith.constant 0 : index
    %get3A_5 = arith.constant 0 : index
    %get3A_6 = arith.constant 0 : index
    %get3A_7 = vector.load %arg2[%get3A_4, %get3A_5, %get3A_6] : memref<1x1000x64xf32, #tpu.memory_space<vmem>>, vector<1x1000x64xf32>
    %get3A_8 = vector.shape_cast %get3A_7 : vector<1x1000x64xf32> to vector<1000x64xf32>
    %concatenate3A = tpu.concatenate %get3A_3, %get3A_8 in 1 : vector<1000x64xf32>, vector<1000x64xf32> -> vector<1000x128xf32>
    %get3A_9 = arith.constant 0 : index
    %get3A_10 = arith.constant 0 : index
    %get3A_11 = arith.constant 0 : index
    %get3A_12 = vector.load %arg3[%get3A_9, %get3A_10, %get3A_11] : memref<1x1000x8xf32, #tpu.memory_space<vmem>>, vector<1x1000x8xf32>
    %get3A_13 = vector.shape_cast %get3A_12 : vector<1x1000x8xf32> to vector<1000x8xf32>
    %get3A_14 = arith.constant 0 : index
    %get3A_15 = arith.constant 0 : index
    %get3A_16 = vector.load %arg6[%get3A_14, %get3A_15] : memref<8x128xf32, #tpu.memory_space<vmem>>, vector<8x128xf32>
    %dot_general3A = arith.constant dense<0.000000e+00> : vector<1000x128xf32>
    %dot_general3A_17 = tpu.matmul %get3A_13, %get3A_16, %dot_general3A {dimension_numbers = #tpu.dot_dimension_numbers<[1], [0], [0], [1], [0, 0, 1, 1], [], []>, transpose_lhs_hint = false} : vector<1000x8xf32>, vector<8x128xf32>, vector<1000x128xf32> -> vector<1000x128xf32>
    %get3A_18 = arith.constant 0 : index
    %get3A_19 = arith.constant 0 : index
    %get3A_20 = arith.constant 0 : index
    %get3A_21 = vector.load %arg4[%get3A_18, %get3A_19, %get3A_20] : memref<1x1000x8xf32, #tpu.memory_space<vmem>>, vector<1x1000x8xf32>
    %get3A_22 = vector.shape_cast %get3A_21 : vector<1x1000x8xf32> to vector<1000x8xf32>
    %get3A_23 = arith.constant 0 : index
    %get3A_24 = arith.constant 0 : index
    %get3A_25 = vector.load %arg7[%get3A_23, %get3A_24] : memref<8x128xf32, #tpu.memory_space<vmem>>, vector<8x128xf32>
    %dot_general3A_26 = arith.constant dense<0.000000e+00> : vector<1000x128xf32>
    %dot_general3A_27 = tpu.matmul %get3A_22, %get3A_25, %dot_general3A_26 {dimension_numbers = #tpu.dot_dimension_numbers<[1], [0], [0], [1], [0, 0, 1, 1], [], []>, transpose_lhs_hint = false} : vector<1000x8xf32>, vector<8x128xf32>, vector<1000x128xf32> -> vector<1000x128xf32>
    %add3A = arith.addf %dot_general3A_17, %dot_general3A_27 : vector<1000x128xf32>
    %add3A_28 = arith.constant 1.000000e-16 : f32
    %add3A_29 = vector.broadcast %add3A_28 : f32 to vector<1000x128xf32>
    %add3A_30 = arith.addf %add3A, %add3A_29 : vector<1000x128xf32>
    %div3A = arith.divf %concatenate3A, %add3A_30 : vector<1000x128xf32>
    %get3A_31 = arith.constant 0 : index
    %get3A_32 = arith.constant 0 : index
    %get3A_33 = vector.load %arg5[%get3A_31, %get3A_32] : memref<1000x128xf32, #tpu.memory_space<vmem>>, vector<1000x128xf32>
    %add3A_34 = arith.addf %div3A, %get3A_33 : vector<1000x128xf32>
    %max3A = arith.constant 0.000000e+00 : f32
    %max3A_35 = vector.broadcast %max3A : f32 to vector<1000x128xf32>
    %max3A_36 = arith.maximumf %add3A_34, %max3A_35 : vector<1000x128xf32>
    %get3A_37 = arith.constant 0 : index
    %get3A_38 = arith.constant 0 : index
    %get3A_39 = vector.load %arg8[%get3A_37, %get3A_38] : memref<128x128xf32, #tpu.memory_space<vmem>>, vector<128x128xf32>
    %dot_general3A_40 = arith.constant dense<0.000000e+00> : vector<1000x128xf32>
    %dot_general3A_41 = tpu.matmul %max3A_36, %get3A_39, %dot_general3A_40 {dimension_numbers = #tpu.dot_dimension_numbers<[1], [0], [0], [1], [0, 0, 1, 1], [], []>, transpose_lhs_hint = false} : vector<1000x128xf32>, vector<128x128xf32>, vector<1000x128xf32> -> vector<1000x128xf32>
    %get3A_42 = arith.constant 0 : index
    %get3A_43 = arith.constant 0 : index
    %get3A_44 = vector.load %arg9[%get3A_42, %get3A_43] : memref<1x128xf32, #tpu.memory_space<vmem>>, vector<1x128xf32>
    %add3A_45 = vector.broadcast %get3A_44 : vector<1x128xf32> to vector<1000x128xf32>
    %add3A_46 = arith.addf %dot_general3A_41, %add3A_45 : vector<1000x128xf32>
    %get3A_47 = arith.constant 0 : index
    %get3A_48 = arith.constant 0 : index
    %get3A_49 = vector.load %arg10[%get3A_47, %get3A_48] : memref<128x128xf32, #tpu.memory_space<vmem>>, vector<128x128xf32>
    %dot_general3A_50 = arith.constant dense<0.000000e+00> : vector<1000x128xf32>
    %dot_general3A_51 = tpu.matmul %max3A_36, %get3A_49, %dot_general3A_50 {dimension_numbers = #tpu.dot_dimension_numbers<[1], [0], [0], [1], [0, 0, 1, 1], [], []>, transpose_lhs_hint = false} : vector<1000x128xf32>, vector<128x128xf32>, vector<1000x128xf32> -> vector<1000x128xf32>
    %get3A_52 = arith.constant 0 : index
    %get3A_53 = arith.constant 0 : index
    %get3A_54 = vector.load %arg11[%get3A_52, %get3A_53] : memref<1x128xf32, #tpu.memory_space<vmem>>, vector<1x128xf32>
    %add3A_55 = vector.broadcast %get3A_54 : vector<1x128xf32> to vector<1000x128xf32>
    %add3A_56 = arith.addf %dot_general3A_51, %add3A_55 : vector<1000x128xf32>
    %get3A_57 = arith.constant 0 : index
    %get3A_58 = arith.constant 0 : index
    %get3A_59 = vector.load %arg12[%get3A_57, %get3A_58] : memref<128x128xf32, #tpu.memory_space<vmem>>, vector<128x128xf32>
    %dot_general3A_60 = arith.constant dense<0.000000e+00> : vector<1000x128xf32>
    %dot_general3A_61 = tpu.matmul %max3A_36, %get3A_59, %dot_general3A_60 {dimension_numbers = #tpu.dot_dimension_numbers<[1], [0], [0], [1], [0, 0, 1, 1], [], []>, transpose_lhs_hint = false} : vector<1000x128xf32>, vector<128x128xf32>, vector<1000x128xf32> -> vector<1000x128xf32>
    %get3A_62 = arith.constant 0 : index
    %get3A_63 = arith.constant 0 : index
    %get3A_64 = vector.load %arg13[%get3A_62, %get3A_63] : memref<1x128xf32, #tpu.memory_space<vmem>>, vector<1x128xf32>
    %add3A_65 = vector.broadcast %get3A_64 : vector<1x128xf32> to vector<1000x128xf32>
    %add3A_66 = arith.addf %dot_general3A_61, %add3A_65 : vector<1000x128xf32>
    %swap3A = arith.constant 0 : index
    %swap3A_67 = arith.constant 0 : index
    %swap3A_68 = vector.load %arg16[%swap3A, %swap3A_67] : memref<1000x128xf32, #tpu.memory_space<vmem>>, vector<1000x128xf32>
    tpu.vector_store %arg16[%swap3A, %swap3A_67], %add3A_46 {strides = array<i32>} : memref<1000x128xf32, #tpu.memory_space<vmem>>, vector<1000x128xf32>,
    %concatenate3A_69 = tpu.concatenate %add3A_56, %add3A_66 in 1 : vector<1000x128xf32>, vector<1000x128xf32> -> vector<1000x256xf32>
    %swap3A_70 = arith.constant 0 : index
    %swap3A_71 = arith.constant 0 : index
    %swap3A_72 = vector.load %arg17[%swap3A_70, %swap3A_71] : memref<1000x256xf32, #tpu.memory_space<vmem>>, vector<1000x256xf32>
    tpu.vector_store %arg17[%swap3A_70, %swap3A_71], %concatenate3A_69 {strides = array<i32>} : memref<1000x256xf32, #tpu.memory_space<vmem>>, vector<1000x256xf32>,
    %get3A_73 = arith.constant 0 : index
    %get3A_74 = arith.constant 0 : index
    %get3A_75 = vector.load %arg14[%get3A_73, %get3A_74] : memref<128x128xf32, #tpu.memory_space<vmem>>, vector<128x128xf32>
    %dot_general3A_76 = arith.constant dense<0.000000e+00> : vector<1000x128xf32>
    %dot_general3A_77 = tpu.matmul %max3A_36, %get3A_75, %dot_general3A_76 {dimension_numbers = #tpu.dot_dimension_numbers<[1], [0], [0], [1], [0, 0, 1, 1], [], []>, transpose_lhs_hint = false} : vector<1000x128xf32>, vector<128x128xf32>, vector<1000x128xf32> -> vector<1000x128xf32>
    %get3A_78 = arith.constant 0 : index
    %get3A_79 = arith.constant 0 : index
    %get3A_80 = vector.load %arg15[%get3A_78, %get3A_79] : memref<1x128xf32, #tpu.memory_space<vmem>>, vector<1x128xf32>
    %add3A_81 = vector.broadcast %get3A_80 : vector<1x128xf32> to vector<1000x128xf32>
    %add3A_82 = arith.addf %dot_general3A_77, %add3A_81 : vector<1000x128xf32>
    %swap3A_83 = arith.constant 0 : index
    %swap3A_84 = arith.constant 0 : index
    %swap3A_85 = vector.load %arg18[%swap3A_83, %swap3A_84] : memref<1000x128xf32, #tpu.memory_space<vmem>>, vector<1000x128xf32>
    tpu.vector_store %arg18[%swap3A_83, %swap3A_84], %add3A_82 {strides = array<i32>} : memref<1000x128xf32, #tpu.memory_space<vmem>>, vector<1000x128xf32>,
    return
  }
  func.func @transform_0(%arg0: i32) -> (i32, i32, i32) {
    %c0_i32 = arith.constant 0 : i32
    %c0_i32_0 = arith.constant 0 : i32
    %c0_i32_1 = arith.constant 0 : i32
    return %c0_i32, %arg0, %c0_i32_0 : i32, i32, i32
  }
  func.func @transform_1(%arg0: i32) -> (i32, i32, i32) {
    %c1_i32 = arith.constant 1 : i32
    %c0_i32 = arith.constant 0 : i32
    %c0_i32_0 = arith.constant 0 : i32
    return %c1_i32, %arg0, %c0_i32 : i32, i32, i32
  }
  func.func @transform_2(%arg0: i32) -> (i32, i32, i32) {
    %c0_i32 = arith.constant 0 : i32
    %c0_i32_0 = arith.constant 0 : i32
    %c0_i32_1 = arith.constant 0 : i32
    return %c0_i32, %arg0, %c0_i32_0 : i32, i32, i32
  }
  func.func @transform_3(%arg0: i32) -> (i32, i32, i32) {
    %c1_i32 = arith.constant 1 : i32
    %c0_i32 = arith.constant 0 : i32
    %c0_i32_0 = arith.constant 0 : i32
    return %c1_i32, %arg0, %c0_i32 : i32, i32, i32
  }
  func.func @transform_4(%arg0: i32) -> (i32, i32) {
    %c0_i32 = arith.constant 0 : i32
    %c0_i32_0 = arith.constant 0 : i32
    return %arg0, %c0_i32 : i32, i32
  }
  func.func @transform_5(%arg0: i32) -> (i32, i32) {
    %c0_i32 = arith.constant 0 : i32
    %c0_i32_0 = arith.constant 0 : i32
    %c0_i32_1 = arith.constant 0 : i32
    return %c0_i32, %c0_i32_0 : i32, i32
  }
  func.func @transform_6(%arg0: i32) -> (i32, i32) {
    %c0_i32 = arith.constant 0 : i32
    %c0_i32_0 = arith.constant 0 : i32
    %c0_i32_1 = arith.constant 0 : i32
    return %c0_i32, %c0_i32_0 : i32, i32
  }
  func.func @transform_7(%arg0: i32) -> (i32, i32) {
    %c0_i32 = arith.constant 0 : i32
    %c0_i32_0 = arith.constant 0 : i32
    %c0_i32_1 = arith.constant 0 : i32
    return %c0_i32, %c0_i32_0 : i32, i32
  }
  func.func @transform_8(%arg0: i32) -> (i32, i32) {
    %c0_i32 = arith.constant 0 : i32
    %c0_i32_0 = arith.constant 0 : i32
    %c0_i32_1 = arith.constant 0 : i32
    return %c0_i32, %c0_i32_0 : i32, i32
  }
  func.func @transform_9(%arg0: i32) -> (i32, i32) {
    %c0_i32 = arith.constant 0 : i32
    %c0_i32_0 = arith.constant 0 : i32
    %c0_i32_1 = arith.constant 0 : i32
    return %c0_i32, %c0_i32_0 : i32, i32
  }
  func.func @transform_10(%arg0: i32) -> (i32, i32) {
    %c0_i32 = arith.constant 0 : i32
    %c0_i32_0 = arith.constant 0 : i32
    %c0_i32_1 = arith.constant 0 : i32
    return %c0_i32, %c0_i32_0 : i32, i32
  }
  func.func @transform_11(%arg0: i32) -> (i32, i32) {
    %c0_i32 = arith.constant 0 : i32
    %c0_i32_0 = arith.constant 0 : i32
    %c0_i32_1 = arith.constant 0 : i32
    return %c0_i32, %c0_i32_0 : i32, i32
  }
  func.func @transform_12(%arg0: i32) -> (i32, i32) {
    %c0_i32 = arith.constant 0 : i32
    %c0_i32_0 = arith.constant 0 : i32
    %c0_i32_1 = arith.constant 0 : i32
    return %c0_i32, %c0_i32_0 : i32, i32
  }
  func.func @transform_13(%arg0: i32) -> (i32, i32) {
    %c0_i32 = arith.constant 0 : i32
    %c0_i32_0 = arith.constant 0 : i32
    %c0_i32_1 = arith.constant 0 : i32
    return %c0_i32, %c0_i32_0 : i32, i32
  }
  func.func @transform_14(%arg0: i32) -> (i32, i32) {
    %c0_i32 = arith.constant 0 : i32
    %c0_i32_0 = arith.constant 0 : i32
    %c0_i32_1 = arith.constant 0 : i32
    return %c0_i32, %c0_i32_0 : i32, i32
  }
  func.func @transform_15(%arg0: i32) -> (i32, i32) {
    %c0_i32 = arith.constant 0 : i32
    %c0_i32_0 = arith.constant 0 : i32
    return %arg0, %c0_i32 : i32, i32
  }
  func.func @transform_16(%arg0: i32) -> (i32, i32) {
    %c0_i32 = arith.constant 0 : i32
    %c0_i32_0 = arith.constant 0 : i32
    return %arg0, %c0_i32 : i32, i32
  }
  func.func @transform_17(%arg0: i32) -> (i32, i32) {
    %c0_i32 = arith.constant 0 : i32
    %c0_i32_0 = arith.constant 0 : i32
    return %arg0, %c0_i32 : i32, i32
  }
}

module attributes {stable_mosaic.version = 14 : i64} {
  func.func @_final_body(%arg0: i32, %arg1: memref<1x1000x64xf32, #tpu.memory_space<vmem>>, %arg2: memref<1x1000x64xf32, #tpu.memory_space<vmem>>, %arg3: memref<1x1000x8xf32, #tpu.memory_space<vmem>>, %arg4: memref<1x1000x8xf32, #tpu.memory_space<vmem>>, %arg5: memref<1000x128xf32, #tpu.memory_space<vmem>>, %arg6: memref<8x128xf32, #tpu.memory_space<vmem>>, %arg7: memref<8x128xf32, #tpu.memory_space<vmem>>, %arg8: memref<1000x128xf32, #tpu.memory_space<vmem>>) attributes {dimension_semantics = [#tpu.dimension_semantics<arbitrary>], iteration_bounds = array<i64: 10>, scalar_prefetch = 0 : i64, scratch_operands = 0 : i64, tpu.core_type = #tpu.core_type<tc>, window_params = [{transform_indices = @transform_0, window_bounds = array<i64: 1, 1000, 64>}, {transform_indices = @transform_1, window_bounds = array<i64: 1, 1000, 64>}, {transform_indices = @transform_2, window_bounds = array<i64: 1, 1000, 8>}, {transform_indices = @transform_3, window_bounds = array<i64: 1, 1000, 8>}, {transform_indices = @transform_4, window_bounds = array<i64: 1000, 128>}, {pipeline_mode = #tpu.pipeline_mode<synchronous>, transform_indices = @transform_5, window_bounds = array<i64: 8, 128>}, {pipeline_mode = #tpu.pipeline_mode<synchronous>, transform_indices = @transform_6, window_bounds = array<i64: 8, 128>}, {transform_indices = @transform_7, window_bounds = array<i64: 1000, 128>}]} {
    %get3A = arith.constant 0 : index
    %get3A_0 = arith.constant 0 : index
    %get3A_1 = arith.constant 0 : index
    %get3A_2 = vector.load %arg1[%get3A, %get3A_0, %get3A_1] : memref<1x1000x64xf32, #tpu.memory_space<vmem>>, vector<1x1000x64xf32>
    %get3A_3 = vector.shape_cast %get3A_2 : vector<1x1000x64xf32> to vector<1000x64xf32>
    %get3A_4 = arith.constant 0 : index
    %get3A_5 = arith.constant 0 : index
    %get3A_6 = arith.constant 0 : index
    %get3A_7 = vector.load %arg2[%get3A_4, %get3A_5, %get3A_6] : memref<1x1000x64xf32, #tpu.memory_space<vmem>>, vector<1x1000x64xf32>
    %get3A_8 = vector.shape_cast %get3A_7 : vector<1x1000x64xf32> to vector<1000x64xf32>
    %concatenate3A = tpu.concatenate %get3A_3, %get3A_8 in 1 : vector<1000x64xf32>, vector<1000x64xf32> -> vector<1000x128xf32>
    %get3A_9 = arith.constant 0 : index
    %get3A_10 = arith.constant 0 : index
    %get3A_11 = arith.constant 0 : index
    %get3A_12 = vector.load %arg3[%get3A_9, %get3A_10, %get3A_11] : memref<1x1000x8xf32, #tpu.memory_space<vmem>>, vector<1x1000x8xf32>
    %get3A_13 = vector.shape_cast %get3A_12 : vector<1x1000x8xf32> to vector<1000x8xf32>
    %get3A_14 = arith.constant 0 : index
    %get3A_15 = arith.constant 0 : index
    %get3A_16 = vector.load %arg6[%get3A_14, %get3A_15] : memref<8x128xf32, #tpu.memory_space<vmem>>, vector<8x128xf32>
    %dot_general3A = arith.constant dense<0.000000e+00> : vector<1000x128xf32>
    %dot_general3A_17 = tpu.matmul %get3A_13, %get3A_16, %dot_general3A {dimension_numbers = #tpu.dot_dimension_numbers<[1], [0], [0], [1], [0, 0, 1, 1], [], []>, transpose_lhs_hint = false} : vector<1000x8xf32>, vector<8x128xf32>, vector<1000x128xf32> -> vector<1000x128xf32>
    %get3A_18 = arith.constant 0 : index
    %get3A_19 = arith.constant 0 : index
    %get3A_20 = arith.constant 0 : index
    %get3A_21 = vector.load %arg4[%get3A_18, %get3A_19, %get3A_20] : memref<1x1000x8xf32, #tpu.memory_space<vmem>>, vector<1x1000x8xf32>
    %get3A_22 = vector.shape_cast %get3A_21 : vector<1x1000x8xf32> to vector<1000x8xf32>
    %get3A_23 = arith.constant 0 : index
    %get3A_24 = arith.constant 0 : index
    %get3A_25 = vector.load %arg7[%get3A_23, %get3A_24] : memref<8x128xf32, #tpu.memory_space<vmem>>, vector<8x128xf32>
    %dot_general3A_26 = arith.constant dense<0.000000e+00> : vector<1000x128xf32>
    %dot_general3A_27 = tpu.matmul %get3A_22, %get3A_25, %dot_general3A_26 {dimension_numbers = #tpu.dot_dimension_numbers<[1], [0], [0], [1], [0, 0, 1, 1], [], []>, transpose_lhs_hint = false} : vector<1000x8xf32>, vector<8x128xf32>, vector<1000x128xf32> -> vector<1000x128xf32>
    %add3A = arith.addf %dot_general3A_17, %dot_general3A_27 : vector<1000x128xf32>
    %add3A_28 = arith.constant 1.000000e-16 : f32
    %add3A_29 = vector.broadcast %add3A_28 : f32 to vector<1000x128xf32>
    %add3A_30 = arith.addf %add3A, %add3A_29 : vector<1000x128xf32>
    %div3A = arith.divf %concatenate3A, %add3A_30 : vector<1000x128xf32>
    %get3A_31 = arith.constant 0 : index
    %get3A_32 = arith.constant 0 : index
    %get3A_33 = vector.load %arg5[%get3A_31, %get3A_32] : memref<1000x128xf32, #tpu.memory_space<vmem>>, vector<1000x128xf32>
    %add3A_34 = arith.addf %div3A, %get3A_33 : vector<1000x128xf32>
    %swap3A = arith.constant 0 : index
    %swap3A_35 = arith.constant 0 : index
    %swap3A_36 = vector.load %arg8[%swap3A, %swap3A_35] : memref<1000x128xf32, #tpu.memory_space<vmem>>, vector<1000x128xf32>
    tpu.vector_store %arg8[%swap3A, %swap3A_35], %add3A_34 {strides = array<i32>} : memref<1000x128xf32, #tpu.memory_space<vmem>>, vector<1000x128xf32>,
    return
  }
  func.func @transform_0(%arg0: i32) -> (i32, i32, i32) {
    %c0_i32 = arith.constant 0 : i32
    %c0_i32_0 = arith.constant 0 : i32
    %c0_i32_1 = arith.constant 0 : i32
    return %c0_i32, %arg0, %c0_i32_0 : i32, i32, i32
  }
  func.func @transform_1(%arg0: i32) -> (i32, i32, i32) {
    %c1_i32 = arith.constant 1 : i32
    %c0_i32 = arith.constant 0 : i32
    %c0_i32_0 = arith.constant 0 : i32
    return %c1_i32, %arg0, %c0_i32 : i32, i32, i32
  }
  func.func @transform_2(%arg0: i32) -> (i32, i32, i32) {
    %c0_i32 = arith.constant 0 : i32
    %c0_i32_0 = arith.constant 0 : i32
    %c0_i32_1 = arith.constant 0 : i32
    return %c0_i32, %arg0, %c0_i32_0 : i32, i32, i32
  }
  func.func @transform_3(%arg0: i32) -> (i32, i32, i32) {
    %c1_i32 = arith.constant 1 : i32
    %c0_i32 = arith.constant 0 : i32
    %c0_i32_0 = arith.constant 0 : i32
    return %c1_i32, %arg0, %c0_i32 : i32, i32, i32
  }
  func.func @transform_4(%arg0: i32) -> (i32, i32) {
    %c0_i32 = arith.constant 0 : i32
    %c0_i32_0 = arith.constant 0 : i32
    return %arg0, %c0_i32 : i32, i32
  }
  func.func @transform_5(%arg0: i32) -> (i32, i32) {
    %c0_i32 = arith.constant 0 : i32
    %c0_i32_0 = arith.constant 0 : i32
    %c0_i32_1 = arith.constant 0 : i32
    return %c0_i32, %c0_i32_0 : i32, i32
  }
  func.func @transform_6(%arg0: i32) -> (i32, i32) {
    %c0_i32 = arith.constant 0 : i32
    %c0_i32_0 = arith.constant 0 : i32
    %c0_i32_1 = arith.constant 0 : i32
    return %c0_i32, %c0_i32_0 : i32, i32
  }
  func.func @transform_7(%arg0: i32) -> (i32, i32) {
    %c0_i32 = arith.constant 0 : i32
    %c0_i32_0 = arith.constant 0 : i32
    return %arg0, %c0_i32 : i32, i32
  }
}

</mosaic_0001>

<sc_bundles>
// kernel: kernel.10.cloned.1.call-start
scs
__scs_entry_jumppad:
0x0: {  	(pc) =	sbr.rel $0x88, $3  }
0x1: {  	(tag) =	ssettag $0x0;
	lr =	simm.s32 $0x1  }
0x2: {  	[smem:$0x3F8F] =	sst lr;
	_ =	strace $0xD0000000  }
0x3: {  	_ = 	snop  }
0x4: {  	_ = 	snop  }
0x5: {  	_ = 	snop  }
0x6: {  	_ = 	snop  }
0x7: {  	_ = 	snop  }
__scs_overlays_trampoline_lowered:
0x8: {  	[smem:$0x3F9E] =	sst s0  }
0x9: {  	[smem:$0x3F9F] =	sst s1  }
0xa: {  	[smem:$0x3FA0] =	sst s2  }
0xb: {  	[smem:$0x3FA1] =	sst s3  }
0xc: {  	[smem:$0x3FA2] =	sst s4  }
0xd: {  	[smem:$0x3FA3] =	sst s5  }
0xe: {  	[smem:$0x3FA4] =	sst s6  }
0xf: {  	[smem:$0x3FA5] =	sst s7  }
0x10: {  	[smem:$0x3FA6] =	sst s8  }
0x11: {  	[smem:$0x3FA7] =	sst s9;
	s0 =	simm.s32 @!p0 $0x0  }
0x12: {  	s1 =	sld [smem:$0x3F8D];
	s0 =	simm.s32 @p0 $0x1  }
0x13: {  	[smem:$0x3FA8] =	sst s0;
	s0 =	simm.s32 @!p1 $0x0  }
0x14: {  	s2 =	sld [smem:$0x3F8C];
	s0 =	simm.s32 @p1 $0x1  }
0x15: {  	[smem:$0x3FA9] =	sst s0;
	s0 =	simm.s32 @!p2 $0x0  }
0x16: {  	s3 =	sld [smem:$0x3FDB];
	s0 =	simm.s32 @p2 $0x1  }
0x17: {  	s4 =	simm.s32 $0x1BF5;
	[smem:$0x3FAB] =	sst s0  }
0x18: {  	s0 =	sld [smem:$0x3F8E];
	_ =	swait.ge [sflag:s4], $0x0  }
0x19: {  	s7 =	sld [smem:$0x3F8F]  }
0x1a: {  	s8 =	sadd.s32 $0xFFFFE003, lr  }
0x1b: {  	s9 =	sadd.s32 $0xFFFFFEF7, lr;
	s5 =	simm.s32 $0xFFFFFFFF;
	p2 =	slt.u32 s8, $0xFFFFF086  }
0x1c: {  	p1 =	slt.u32 s9, $0xF7A;
	s5 =	simm.s32 @!p2 $0x0  }
0x1d: {  	s5 =	simm.s32 @p1 $0x1;
	p0 =	seq.s32 s7, s2  }
0x1e: {  	s7 =	smul.u32 @!p0 $0xF7A, s2;
	p2 =	seq.s32 @!p0 s5, $0x0  }
0x1f: {  	s9 =	smul.u32 $0xF7A, s1;
	s8 =	simm.s32 @!p0 $0x1BF5;
	p2 =	por !p2, p0  }
0x20: {  	[sflag:s8] =	ssyncset.s32 @!p0 $0xFFFFF086;
	s6 =	sadd.s32 @!p0 s3, s7;
	s7 =	simm.s32 @!p0 $0x108  }
0x21: {  	s3 =	sadd.s32 s3, s9;
	s6 =	sadd.s32 @!p0 $0x88, s6;
	s7 =	simm.s32 @p2 $0x1082  }
0x22: {  	[simem:s7], [sflag:s8] =	dma.local @!p0 [hbm:s6], $0xF7A  }
0x23: {  	s9 =	sor.u32 $0xD0000000, s2;
	s6 =	simm.s32 $0x108;
	_ =	swait.ge @!p0 [sflag:s8], $0x0  }
0x24: {  	s3 =	sadd.s32 $0x88, s3;
	s6 =	simm.s32 @!p1 $0x1082;
	[sflag:s4] =	ssyncset.s32 $0xFFFFF086  }
0x25: {  	[simem:s6], [sflag:s4] =	dma.local [hbm:s3], $0xF7A  }
0x26: {  	[smem:$0x3F8F] =	sst s1;
	(tag) =	ssettag s2;
	_ =	strace s9  }
0x27: {  	s1 =	sld [smem:$0x3F9F]  }
0x28: {  	s2 =	sld [smem:$0x3FA0]  }
0x29: {  	s4 =	sld [smem:$0x3FA2]  }
0x2a: {  	p0 =	seq.s32 s5, $0x0;
	s5 =	sld [smem:$0x3FA3]  }
0x2b: {  	s6 =	sld [smem:$0x3FA4]  }
0x2c: {  	s7 =	sld [smem:$0x3FA5]  }
0x2d: {  	s3 =	simm.s32 $0x108;
	s8 =	sld [smem:$0x3FA6]  }
0x2e: {  	s3 =	simm.s32 @!p0 $0x1082;
	s9 =	sld [smem:$0x3FA7]  }
0x2f: {  	lr =	sadd.s32 s0, s3;
	s0 =	sld [smem:$0x3F9E]  }
0x30: {  	s3 =	sld [smem:$0x3FA1]  }
0x31: {  	[smem:$0x3FAA] =	sst s10  }
0x32: {  	s10 =	sld [smem:$0x3FA8];
	_ =	sdelay $0x3  }
0x33: {  	p0 =	seq.s32 s10, $0x1;
	s10 =	sld [smem:$0x3FAA];
	_ =	sdelay $0x3  }
0x34: {  	[smem:$0x3FAA] =	sst s10  }
0x35: {  	s10 =	sld [smem:$0x3FA9];
	_ =	sdelay $0x3  }
0x36: {  	p1 =	seq.s32 s10, $0x1;
	s10 =	sld [smem:$0x3FAA];
	_ =	sdelay $0x3  }
0x37: {  	[smem:$0x3FAA] =	sst s10  }
0x38: {  	s10 =	sld [smem:$0x3FAB]  }
0x39: {  	_ = 	snop;
	(pc) =	sbr.ind lr, $3  }
0x3a: {  	_ = 	snop  }
0x3b: {  	_ = 	snop  }
0x3c: {  	p2 =	seq.s32 s10, $0x1;
	s10 =	sld [smem:$0x3FAA]  }
0x3d: {  	_ =	shalt  }
0x3e: {  	_ =	shalt  }
0x3f: {  	_ =	shalt  }
0x40: {  	_ =	shalt  }
0x41: {  	_ =	shalt  }
0x42: {  	_ =	shalt  }
0x43: {  	_ =	shalt  }
0x44: {  	_ =	shalt  }
0x45: {  	_ =	shalt  }
0x46: {  	_ =	shalt  }
0x47: {  	_ =	shalt  }
0x48: {  	_ =	shalt  }
0x49: {  	_ =	shalt  }
0x4a: {  	_ =	shalt  }
0x4b: {  	_ =	shalt  }
0x4c: {  	_ =	shalt  }
0x4d: {  	_ =	shalt  }
0x4e: {  	_ =	shalt  }
0x4f: {  	_ =	shalt  }
0x50: {  	_ =	shalt  }
0x51: {  	_ =	shalt  }
0x52: {  	_ =	shalt  }
0x53: {  	_ =	shalt  }
0x54: {  	_ =	shalt  }
0x55: {  	_ =	shalt  }
0x56: {  	_ =	shalt  }
0x57: {  	_ =	shalt  }
0x58: {  	_ =	shalt  }
0x59: {  	_ =	shalt  }
0x5a: {  	_ =	shalt  }
0x5b: {  	_ =	shalt  }
0x5c: {  	_ =	shalt  }
0x5d: {  	_ =	shalt  }
0x5e: {  	_ =	shalt  }
0x5f: {  	_ =	shalt  }
0x60: {  	_ =	shalt  }
0x61: {  	_ =	shalt  }
0x62: {  	_ =	shalt  }
0x63: {  	_ =	shalt  }
0x64: {  	_ =	shalt  }
0x65: {  	_ =	shalt  }
0x66: {  	_ =	shalt  }
0x67: {  	_ =	shalt  }
0x68: {  	_ =	shalt  }
0x69: {  	_ =	shalt  }
0x6a: {  	_ =	shalt  }
0x6b: {  	_ =	shalt  }
0x6c: {  	_ =	shalt  }
0x6d: {  	_ =	shalt  }
0x6e: {  	_ =	shalt  }
0x6f: {  	_ =	shalt  }
0x70: {  	_ =	shalt  }
0x71: {  	_ =	shalt  }
0x72: {  	_ =	shalt  }
0x73: {  	_ =	shalt  }
0x74: {  	_ =	shalt  }
0x75: {  	_ =	shalt  }
0x76: {  	_ =	shalt  }
0x77: {  	_ =	shalt  }
0x78: {  	_ =	shalt  }
0x79: {  	_ =	shalt  }
0x7a: {  	_ =	shalt  }
0x7b: {  	_ =	shalt  }
0x7c: {  	_ =	shalt  }
0x7d: {  	_ =	shalt  }
0x7e: {  	_ =	shalt  }
0x7f: {  	_ =	shalt  }
0x80: {  	_ =	shalt  }
0x81: {  	_ =	shalt  }
0x82: {  	_ =	shalt  }
0x83: {  	_ =	shalt  }
0x84: {  	_ =	shalt  }
0x85: {  	_ =	shalt  }
0x86: {  	_ =	shalt  }
0x87: {  	_ =	shalt  }
.Lfunc_end0:
.L_simem_size_0:
called_computation.1_lowered:
.L_overlay_start_0:
0x88: {  	s2 =	sld [smem:$0x3FD9]  }
0x89: {  	s3 =	sld [smem:$0x3FFE];
	_ =	sdelay $0x1  }
0x8a: {  	s1 =	srdreg.scid  }
0x8b: {  	s0 =	sand.u32 $0x1, s1  }
0x8c: {  	s17 =	sshll.u32 s0, $0xA;
	s2 =	sadd.s32 s3, s2  }
0x8d: {  	s2 =	sadd.s32 s2, s17  }
0x8e: {  	[smem:$0x3FB6] =	sst s2  }
0x8f: {  	_ = 	snop  }
0x90: {  	s2 =	sld [smem:$0x3FD0];
	(tm) =	ssettm $0x1  }
0x91: {  	s18 =	sld [smem:$0x3FFB];
	_ =	sdelay $0x3  }
0x92: {  	_ =	strace s18  }
0x93: {  	s3 =	sld [smem:$0x3FFC];
	_ =	sdelay $0x3  }
0x94: {  	_ =	strace s3  }
0x95: {  	s3 =	sld [smem:$0x3FFD];
	_ =	sdelay $0x3  }
0x96: {  	_ =	strace s3  }
0x97: {  	_ =	strace $0x8FFFFFFF  }
0x98: {  	s19 =	sld [smem:$0x3FDB];
	_ =	sdelay $0x1  }
0x99: {  	s4 =	simm.s32 $_scs_section_size  }
0x9a: {  	s5 =	simm.s32 $_size__tile_overlayer_lowered;
	s6 =	simm.s32 $_tile_overlayer_lowered  }
0x9b: {  	s22 =	simm.s32 $0x1BFF;
	s21 =	sshll.u32 s6, $0x1;
	s3 =	sadd.s32 s4, s19  }
0x9c: {  	s7 =	simm.s32 $0x0;
	s20 =	sshll.u32 s5, $0x1;
	s5 =	sadd.s32 s21, s3  }
0x9d: {  	[timem:s7], [sflag:s22] =	dma.local [hbm:s5], s20  }
0x9e: {  	_ =	swait.ge [sflag:s22], s20  }
0x9f: {  	s4 =	ssub.s32 $0x0, s20;
	[sflag:s22] =	ssyncset.done $0x0  }
0xa0: {  	[sflag:s22] =	ssyncadd.s32 s4;
	_ =	sdelay $0x1  }
0xa1: {  	s23 =	simm.s32 $0x1B8B  }
0xa2: {  	_ =	swait.ge [sflag:s23], $0x1  }
0xa3: {  	[sflag:s23] =	ssyncset.done $0x0  }
0xa4: {  	s25 =	simm.s32 $0x1B8E;
	s24 =	sld [smem:$0x3FFE];
	[sflag:s23] =	ssyncadd.s32 $0xFFFFFFFF  }
0xa5: {  	s26 =	simm.s32 $execute0_lowered;
	[smem:$0x3FD2] =	sst s25  }
0xa6: {  	s5 =	sshll.u32 s26, $0x1;
	_ =	strace $0x80000049;
	[dreg:$0x1] =	wrdreg $0xFFFFFFFF  }
0xa7: {  	s28 =	simm.s32 $_size_execute0_lowered;
	s3 =	sadd.s32 s3, s5;
	[dreg:$0x0] =	wrdreg $0x0  }
0xa8: {  	s5 =	sshll.u32 s28, $0x1;
	[dreg:$0x2] =	wrdreg s3  }
0xa9: {  	[dreg:$0x3] =	wrdreg s5  }
0xaa: {  	[dreg:$0x4] =	wrdreg $0xC0  }
0xab: {  	_ =	task [dreg:s7], $0x5FFFF  }
0xac: {  	[dreg:$0x1] =	wrdreg $0xFFFFFFFF  }
0xad: {  	[dreg:$0x0] =	wrdreg $0x60  }
0xae: {  	[dreg:$0x2] =	wrdreg s2  }
0xaf: {  	[dreg:$0x3] =	wrdreg s24  }
0xb0: {  	[dreg:$0x4] =	wrdreg $0xCA000  }
0xb1: {  	[dreg:$0x5] =	wrdreg $0x16A000  }
0xb2: {  	[dreg:$0x6] =	wrdreg $0x9  }
0xb3: {  	_ =	task.clear_ibuf [dreg:s7], $0x7FFFF;
	_ =	strace $0x90000049  }
0xb4: {  	s29 =	simm.s32 $0x9;
	_ =	strace $0x8000004B  }
0xb5: {  	_ =	swait.ge [sflag:s29], $0x1  }
0xb6: {  	[sflag:s29] =	ssyncadd.s32 $0xFFFFFFFF  }
0xb7: {  	_ =	strace $0x9000004B  }
0xb8: {  	_ =	sfence  }
0xb9: {  	s30 =	sld [smem:$0x0];
	_ =	sdelay $0x2  }
0xba: {  	s31 =	sshll.u32 s1, $0xD;
	s1 =	sshrl.u32 s1, $0x2  }
0xbb: {  	s3 =	sand.u32 $0x4000, s31;
	s1 =	sadd.s32 s1, s30  }
0xbc: {  	s0 =	sor.u32 s3, s0;
	s1 =	sshll.u32 s1, $0x11  }
0xbd: {  	s0 =	sor.u32 s1, s0  }
0xbe: {  	s0 =	sadd.s32 $0x8F2B, s0  }
0xbf: {  	[sflag:s0] =	ssyncadd.remote.s32 $0x1  }
0xc0: {  	_ =	sfence.sel $0xFFFF  }
0xc1: {  	[dreg:$0x0] =	wrdreg $0xFFFFFFFF;
	(pc) =	sbr.abs _section_cstart, $3  }
0xc2: {  	[dreg:$0x1] =	wrdreg $0xFFFFFFFF  }
0xc3: {  	_ =	task.clear_ibuf [dreg:s7], $0x2FFFF;
	_ =	strace $0x9FFFFFFF  }
0xc4: {  	(tm) =	ssettm $0x7FFFFFFF  }
0xc5: {  	_ =	shalt  }
tec
execute0_lowered:
.L_overlay_start_1:
0x0: {  	(tag) =	ssettag $0x1  }
0x1: {  	s0 =	rddreg [dreg:$0x1]  }
0x2: {  	s11 =	rddreg [dreg:$0x2]  }
0x3: {  	s12 =	rddreg [dreg:$0x3];
	s1 =	srdreg.scid  }
0x4: {  	s5 =	simm.s32 $0x0;
	s13 =	stileid.u32;
	s28 =	simm.s32 $0x4800  }
0x5: {  	s29 =	simm.s32 $0x5000;
	s30 =	simm.s32 $0x5800;
	s31 =	simm.s32 $0x6000  }
0x6: {  	s14 =	simm.s32 $0xA000;
	s15 =	simm.s32 $0x7800;
	s16 =	simm.s32 $0xC900  }
0x7: {  	s1 =	sand.u32 $0x1, s1;
	[smem:$0x7FF] =	sst s5;
	s3 =	smul.u32 $0xA000, s13  }
0x8: {  	s6 =	sadd.s32 $0x17A00, s0;
	s7 =	sadd.s32 $0xDC00, s0;
	s17 =	smul.u32 $0x1400, s13  }
0x9: {  	s8 =	sadd.s32 $0x3E00, s0;
	s9 =	sadd.s32 $0x65E00, s0;
	s20 =	smul.u32 $0x28000, s13  }
0xa: {  	s18 =	sadd.s32 $0x67200, s0;
	s10 =	smul.u32 $0x5000, s13;
	s23 =	sshll.u32 s13, $0x6  }
0xb: {  	s2 =	smul.u32 $0xA0000, s1;
	_ =	strace $0x8000004A;
	[dreg:$0x5] =	wrdreg s9  }
0xc: {  	s4 =	smul.u32 $0x14000, s1;
	[dreg:$0x6] =	wrdreg s18;
	s19 =	ssub.s32 $0x2, s1  }
0xd: {  	p0 =	seq.s32 s1, $0x0;
	s1 =	sshll.u32 s1, $0x6;
	s18 =	simm.s32 $0x3  }
0xe: {  	s21 =	sshrl.u32 s19, $0x1;
	s22 =	sshrl.u32 s20, $0x2;
	s24 =	sshrl.u32 s10, $0x2  }
0xf: {  	s10 =	simm.f32 $1.000000000e+00;
	s2 =	sadd.s32 s3, s2;
	s3 =	sadd.s32 s17, s4  }
0x10: {  	s4 =	sadd.s32 s22, s11;
	s11 =	sor.u32 $0x1C03, s23;
	s9 =	sadd.s32 s24, s12  }
0x11: {  	s10 =	simm.s32 @!p0 $0x0;
	s12 =	smul.u32 $0x4E20, s13;
	s13 =	sor.u32 $0x80, s1  }
0x12: {  	s22 =	simm.s32 $0x50;
	s23 =	simm.s32 $0x2800;
	s17 =	simm.s32 $0xC980  }
0x13: {  	s2 =	sshrl.u32 s2, $0x3;
	s3 =	sshrl.u32 s3, $0x3;
	v0 =	vmov s10;
	s10 =	simm.s32 $0x1  }
0x14: {  	[dreg:$0x7] =	wrdreg s11;
	s2 =	sadd.s32 s2, s0;
	s0 =	sadd.s32 s3, s0  }
0x15: {  	s3 =	ssub.s32 s19, s21;
	s21 =	simm.s32 $0xC880;
	s25 =	sadd.s32 $0x67600, s2  }
0x16: {  	v1 =	vlaneseq.u32;
	s19 =	simm.s32 $0x0;
	s0 =	sadd.s32 $0x8F600, s0;
	[dreg:$0x8] =	wrdreg s25  }
0x17: {  	v2 =	vimm.f32 $0.0e+00;
	vm0 =	vmmov $0xffff;
	v3 =	vmul.u32 $0x80, v1;
	s26 =	smax.u32 s3, $0x1;
	s2 =	sshrl.u32 s4, $0x3;
	[dreg:$0x9] =	wrdreg s0  }
0x18: {  	v5 =	vshrl.u32 v1, $0x3;
	v4 =	vand.u32 $0x7, v1;
	v6 =	vor.u32 $0x8, v1;
	s3 =	sshrl.u32 s9, $0x3;
	s4 =	simm.s32 $0x7000;
	[dreg:$0xa] =	wrdreg s26  }
0x19: {  	v5 =	vmul.u32 $0x8, v5;
	v7 =	vmul.u32 $0x80, v4;
	v8 =	vor.u32 $0x800, v3;
	s9 =	simm.s32 $0x2;
	s25 =	simm.s32 $0x3800;
	[dreg:$0xb] =	wrdreg s2  }
0x1a: {  	v9 =	vor.u32 $0x1000, v3;
	v10 =	vor.u32 $0x1800, v3;
	v11 =	vor.u32 $0x2000, v3;
	s26 =	simm.s32 $0x4000;
	s0 =	simm.s32 $0x6800;
	[dreg:$0xc] =	wrdreg s3  }
.LBB2_1:
0x1b: {  	[dreg:$0xd] =	wrdreg s19  }
0x1c: {  	s1 =	rddreg [dreg:$0x5]  }
0x1d: {  	[spmem:s2], [sflag:s11] =	dma.local [hbm:s1], $0x1400  }
0x1e: {  	_ =	swait.ge [sflag:s18], $0x1400  }
0x1f: {  	[sflag:s18] =	ssyncset.done $0x0  }
0x20: {  	s24 =	rddreg [dreg:$0x6];
	[sflag:s18] =	ssyncadd.s32 $0xFFFFEC00  }
0x21: {  	[spmem:s3], [sflag:s11] =	dma.local [hbm:s24], $0x280  }
0x22: {  	_ =	swait.ge [sflag:s18], $0x280  }
0x23: {  	[sflag:s18] =	ssyncset.done $0x0  }
0x24: {  	s1 =	simm.s32 $0x0;
	s2 =	simm.s32 $0x200;
	[sflag:s18] =	ssyncadd.s32 $0xFFFFFD80  }
.LBB2_2:
0x25: {  	p0 =	sne.s32 s2, $0x9E00;
	[tilespmem:s1+$0xA070] =	vst v2  }
0x26: {  	[tilespmem:s1+$0xA000] =	vst v2  }
0x27: {  	[tilespmem:s1+$0xA010] =	vst v2  }
.Ltmp0:
0x28: {  	[tilespmem:s1+$0xA020] =	vst v2;
	(pc) =	sbr.rel @p0 .LBB2_2-.Ltmp0, $4  }
0x29: {  	[tilespmem:s1+$0xA030] =	vst v2  }
0x2a: {  	[tilespmem:s1+$0xA040] =	vst v2  }
0x2b: {  	[tilespmem:s1+$0xA050] =	vst v2  }
0x2c: {  	[tilespmem:s1+$0xA060] =	vst v2;
	s1 =	sshra.s32 s2, $0x2;
	s2 =	sadd.s32 $0x200, s2  }
0x2d: {  	[tilespmem:s1+$0xA070] =	vst v2  }
0x2e: {  	[tilespmem:s1+$0xA000] =	vst v2  }
0x2f: {  	[tilespmem:s1+$0xA010] =	vst v2  }
0x30: {  	[tilespmem:s1+$0xA020] =	vst v2  }
0x31: {  	[tilespmem:s1+$0xA030] =	vst v2  }
0x32: {  	[tilespmem:s1+$0xA040] =	vst v2  }
0x33: {  	[tilespmem:s1+$0xA050] =	vst v2  }
0x34: {  	[tilespmem:s1+$0xA060] =	vst v2  }
0x35: {  	s11 =	simm.s32 $0x0;
	s19 =	simm.s32 $0x0;
	[bflag:$0x0] =	sbarrier.arrive $0xFFFF  }
.LBB2_4:
0x36: {  	s1 =	smul.u32 $0x50, s19;
	_ =	sdelay $0x1  }
0x37: {  	s1 =	sadd.s32 s12, s1  }
0x38: {  	s1 =	sshrl.u32 s1, $0x3  }
0x39: {  	s3 =	simm.s32 $0xC800;
	s2 =	sadd.s32 s7, s1  }
0x3a: {  	[tilespmem:s3], [sflag:$0x3] =	stream.linear.gather [hbm4b:s2+s11], $0x50, $0x38;
	[tilespmem:$0x17E00] =	vst v63  }
0x3b: {  	_ =	swait.ge [sflag:s18], $0x50  }
0x3c: {  	[sflag:s18] =	ssyncset.done $0x0  }
0x3d: {  	s1 =	sadd.s32 s8, s1;
	[sflag:s18] =	ssyncadd.s32 $0xFFFFFFB0  }
0x3e: {  	[tilespmem:s21], [sflag:$0x3] =	stream.linear.gather [hbm4b:s1+s11], $0x50, $0x38;
	[tilespmem:$0x17E00] =	vst v63  }
0x3f: {  	_ =	swait.ge [sflag:s18], $0x50  }
0x40: {  	[sflag:s18] =	ssyncset.done $0x0  }
0x41: {  	[sflag:s18] =	ssyncadd.s32 $0xFFFFFFB0  }
0x42: {  	s20 =	rddreg [dreg:$0x0]  }
0x43: {  	[tilespmem:s11], [sflag:$0x1] =	stream.indirect.gather [hbm4b:s20+s22], $0x80, s21, s22, $0xb8;
	[tilespmem:$0x17E00] =	vst v63  }
0x44: {  	v12 =	vld [tilespmem:$0xC800];
	_ =	sdelay $0x4  }
0x45: {  	v13 =	vshll.u32 v12, $0x1  }
0x46: {  	v12 =	vand.u32 $0x7, v12;
	v13 =	vand.u32 $0xFFFFFFF0, v13  }
0x47: {  	v12 =	vor.u32 v12, v13  }
0x48: {  	v13 =	vperm.xlane v12, v4;
	_ =	sdelay $0x1  }
0x49: {  	v12 =	vperm.xlane v12, v6;
	v13 =	vadd.s32 v5, v13;
	_ =	sdelay $0x1  }
0x4a: {  	v12 =	vadd.s32 v5, v12;
	_ =	sdelay $0x2  }
0x4b: {  	[tilespmem:s23], [sflag:$0x2] =	stream.indirect_vreg.gather [hbm4b:s6+s11], $0x80, v13, vm0, $0xb8;
	[tilespmem:$0x17E00] =	vst v63  }
0x4c: {  	s24 =	simm.s32 $0x3000  }
0x4d: {  	[tilespmem:s24], [sflag:$0x2] =	stream.indirect_vreg.gather [hbm4b:s6+s11], $0x80, v12, vm0, $0xb8;
	[tilespmem:$0x17E00] =	vst v63  }
0x4e: {  	v12 =	vld [tilespmem:$0xC810];
	_ =	sdelay $0x4  }
0x4f: {  	v48 =	vshll.u32 v12, $0x1  }
0x50: {  	v12 =	vand.u32 $0x7, v12;
	v13 =	vand.u32 $0xFFFFFFF0, v48  }
0x51: {  	v12 =	vor.u32 v12, v13  }
0x52: {  	v13 =	vperm.xlane v12, v4;
	_ =	sdelay $0x1  }
0x53: {  	v12 =	vperm.xlane v12, v6;
	v13 =	vadd.s32 v5, v13;
	_ =	sdelay $0x1  }
0x54: {  	v12 =	vadd.s32 v5, v12;
	_ =	sdelay $0x2  }
0x55: {  	[tilespmem:s25], [sflag:$0x2] =	stream.indirect_vreg.gather [hbm4b:s6+s11], $0x80, v13, vm0, $0xb8;
	[tilespmem:$0x17E00] =	vst v63  }
0x56: {  	_ = 	snop  }
0x57: {  	[tilespmem:s26], [sflag:$0x2] =	stream.indirect_vreg.gather [hbm4b:s6+s11], $0x80, v12, vm0, $0xb8;
	[tilespmem:$0x17E00] =	vst v63  }
0x58: {  	v12 =	vld [tilespmem:$0xC820];
	_ =	sdelay $0x4  }
0x59: {  	v49 =	vshll.u32 v12, $0x1  }
0x5a: {  	v12 =	vand.u32 $0x7, v12;
	v13 =	vand.u32 $0xFFFFFFF0, v49  }
0x5b: {  	v12 =	vor.u32 v12, v13  }
0x5c: {  	v13 =	vperm.xlane v12, v4;
	_ =	sdelay $0x1  }
0x5d: {  	v12 =	vperm.xlane v12, v6;
	v13 =	vadd.s32 v5, v13;
	_ =	sdelay $0x1  }
0x5e: {  	v12 =	vadd.s32 v5, v12;
	_ =	sdelay $0x2  }
0x5f: {  	[tilespmem:s28], [sflag:$0x2] =	stream.indirect_vreg.gather [hbm4b:s6+s11], $0x80, v13, vm0, $0xb8;
	[tilespmem:$0x17E00] =	vst v63  }
0x60: {  	_ = 	snop  }
0x61: {  	[tilespmem:s29], [sflag:$0x2] =	stream.indirect_vreg.gather [hbm4b:s6+s11], $0x80, v12, vm0, $0xb8;
	[tilespmem:$0x17E00] =	vst v63  }
0x62: {  	v12 =	vld [tilespmem:$0xC830];
	_ =	sdelay $0x4  }
0x63: {  	v50 =	vshll.u32 v12, $0x1  }
0x64: {  	v12 =	vand.u32 $0x7, v12;
	v13 =	vand.u32 $0xFFFFFFF0, v50  }
0x65: {  	v12 =	vor.u32 v12, v13  }
0x66: {  	v13 =	vperm.xlane v12, v4;
	_ =	sdelay $0x1  }
0x67: {  	v12 =	vperm.xlane v12, v6;
	v13 =	vadd.s32 v5, v13;
	_ =	sdelay $0x1  }
0x68: {  	v12 =	vadd.s32 v5, v12;
	_ =	sdelay $0x2  }
0x69: {  	[tilespmem:s30], [sflag:$0x2] =	stream.indirect_vreg.gather [hbm4b:s6+s11], $0x80, v13, vm0, $0xb8;
	[tilespmem:$0x17E00] =	vst v63  }
0x6a: {  	_ = 	snop  }
0x6b: {  	[tilespmem:s31], [sflag:$0x2] =	stream.indirect_vreg.gather [hbm4b:s6+s11], $0x80, v12, vm0, $0xb8;
	[tilespmem:$0x17E00] =	vst v63  }
0x6c: {  	v12 =	vld [tilespmem:$0xC840];
	_ =	sdelay $0x4  }
0x6d: {  	v51 =	vshll.u32 v12, $0x1  }
0x6e: {  	v12 =	vand.u32 $0x7, v12;
	v13 =	vand.u32 $0xFFFFFFF0, v51  }
0x6f: {  	v12 =	vor.u32 v12, v13  }
0x70: {  	v13 =	vperm.xlane v12, v4;
	_ =	sdelay $0x1  }
0x71: {  	v12 =	vperm.xlane v12, v6;
	v13 =	vadd.s32 v5, v13;
	_ =	sdelay $0x1  }
0x72: {  	v12 =	vadd.s32 v5, v12;
	_ =	sdelay $0x2  }
0x73: {  	[tilespmem:s0], [sflag:$0x2] =	stream.indirect_vreg.gather [hbm4b:s6+s11], $0x80, v13, vm0, $0xb8;
	[tilespmem:$0x17E00] =	vst v63  }
0x74: {  	_ = 	snop  }
0x75: {  	[tilespmem:s4], [sflag:$0x2] =	stream.indirect_vreg.gather [hbm4b:s6+s11], $0x80, v12, vm0, $0xb8;
	[tilespmem:$0x17E00] =	vst v63  }
0x76: {  	_ =	swait.ge [sflag:s9], $0x5000  }
0x77: {  	[sflag:s9] =	ssyncset.done $0x0  }
0x78: {  	[sflag:s9] =	ssyncadd.s32 $0xFFFFB000  }
0x79: {  	_ =	swait.ge [sflag:s10], $0x2800  }
0x7a: {  	[sflag:s10] =	ssyncset.done $0x0  }
0x7b: {  	[sflag:s10] =	ssyncadd.s32 $0xFFFFD800  }
0x7c: {  	v52 =	vld [tilespmem:$0xC880];
	_ =	sdelay $0x1  }
0x7d: {  	v53 =	vld [tilespmem:$0xC890];
	_ =	sdelay $0x1  }
0x7e: {  	v14 =	vld [tilespmem:$0xC8A0]  }
0x7f: {  	v15 =	vshrl.u32 v52, $0x1  }
0x80: {  	v54 =	vld [tilespmem:$0xC8B0];
	v12 =	vshrl.u32 v52, $0x4;
	[tilespmem:$0xC900] =	vst v15  }
0x81: {  	v55 =	vshrl.u32 v53, $0x1;
	[tilespmem:$0xC980] =	vst v12  }
0x82: {  	v57 =	vld [tilespmem:$0xC8C0];
	v56 =	vshrl.u32 v53, $0x4;
	[tilespmem:$0xC910] =	vst v55  }
0x83: {  	v58 =	vshrl.u32 v14, $0x1;
	[tilespmem:$0xC990] =	vst v56  }
0x84: {  	v59 =	vshrl.u32 v14, $0x4;
	[tilespmem:$0xC920] =	vst v58  }
0x85: {  	v60 =	vshrl.u32 v54, $0x1;
	[tilespmem:$0xC9A0] =	vst v59  }
0x86: {  	v61 =	vshrl.u32 v54, $0x4;
	[tilespmem:$0xC930] =	vst v60  }
0x87: {  	v62 =	vshrl.u32 v57, $0x1;
	[tilespmem:$0xC9B0] =	vst v61  }
0x88: {  	v63 =	vshrl.u32 v57, $0x4;
	[tilespmem:$0xC940] =	vst v62  }
0x89: {  	s1 =	simm.s32 $0x0;
	[tilespmem:$0xC9C0] =	vst v63  }
.LBB2_5:
0x8a: {  	s3 =	sshll.u32 s1, $0x4  }
0x8b: {  	v12 =	vor.u32 s3, v1  }
0x8c: {  	v13 =	vshll.u32 v12, $0x8  }
0x8d: {  	v13 =	vand.u32 $0x7800, v13  }
0x8e: {  	s20 =	simm.s32 $0x0;
	v12 =	vshll.u32 v12, $0x7;
	v13 =	vor.u32 v7, v13  }
0x8f: {  	v14 =	vor.u32 s20, v13;
	_ =	sdelay $0x2  }
0x90: {  	s2 =	simm.s32 $0x1  }
0x91: {  	v17 =	vor.u32 $0x1, v12;
	v18 =	vor.u32 s2, v13;
	v16 =	vld.idx.msk [tilespmem:v12+s5+$0x0], $0xffff  }
0x92: {  	v19 =	vadd.s32 s20, v17;
	v20 =	vld.idx.msk [tilespmem:v14+s23+$0x0], $0xffff;
	_ =	sdelay $0x2  }
0x93: {  	v15 =	vld [tilespmem:s3+$0xC880]  }
0x94: {  	s3 =	simm.s32 $0x2;
	v14 =	vimm.f32 $0.0e+00;
	v18 =	vld.idx.msk [tilespmem:v18+s23+$0x0], $0xffff  }
.LBB2_6:
0x95: {  	v21 =	vor.u32 s3, v13;
	v20 =	vmul.f32 v20, v16;
	v16 =	vld.idx.msk [tilespmem:v19+s5+$0x0], $0xffff;
	s20 =	smov.u32 s3;
	p0 =	sne.s32 s3, $0x7F  }
.Ltmp1:
0x96: {  	s3 =	sadd.s32 $0x1, s3;
	v19 =	vadd.s32 s2, v17;
	(pc) =	sbr.rel @p0 .LBB2_6-.Ltmp1, $2  }
0x97: {  	s2 =	smov.u32 s20;
	v14 =	vadd.f32 v20, v14;
	_ =	sdelay $0x2  }
0x98: {  	v20 =	vmov v18;
	v18 =	vld.idx.msk [tilespmem:v21+s23+$0x0], $0xffff  }
0x99: {  	_ =	sdelay $0x3  }
0x9a: {  	v17 =	vld.idx.msk [tilespmem:v19+s5+$0x0], $0xffff;
	_ =	sdelay $0x2  }
0x9b: {  	v16 =	vmul.f32 v20, v16;
	_ =	sdelay $0x1  }
0x9c: {  	v14 =	vadd.f32 v16, v14;
	v16 =	vmul.f32 v18, v17;
	_ =	sdelay $0x1  }
0x9d: {  	v14 =	vadd.f32 v16, v14;
	_ =	sdelay $0x1  }
0x9e: {  	v14 =	vmul.f32 $8.838834610e-02, v14;
	_ =	sdelay $0x1  }
0x9f: {  	v14 =	vmul.f32 $1.442695020e+00, v14;
	_ =	sdelay $0x1  }
0xa0: {  	(erf) = vpow2.f32 v14;
	_ =	sdelay $0x2  }
0xa1: {  	s2 =	sadd.s32 $0x0, s13  }
0xa2: {  	v14 =	vmov s2  }
0xa3: {  	v16 =	vshll.u32 v15, $0x3;
	v17 =	vshll.u32 v14, $0x3  }
0xa4: {  	v16 =	vand.u32 $0x78, v16;
	v14 =	vand.u32 $0x7F, v14;
	v17 =	vand.u32 $0x7FFFFC00, v17  }
0xa5: {  	v16 =	vor.u32 v12, v16;
	v17 =	vadd.s32 v13, v17  }
0xa6: {  	v17 =	vor.u32 v14, v17  }
0xa7: {  	v14 =	vpop (erf)  }
0xa8: {  	v15 =	vshll.u32 v15, $0x6;
	v18 =	vmul.f32 v14, v0  }
0xa9: {  	s3 =	simm.s32 $0x0;
	v15 =	vand.u32 $0x40, v15  }
0xaa: {  	s20 =	sadd.s32 $0x1, s13;
	v19 =	vsub.s32 s3, v15;
	[tilespmem:v16+s14+$0x0] =	vst.idx.msk $0xffff, v18  }
0xab: {  	v19 =	vadd.s32 $0x40, v19;
	s2 =	simm.s32 $0x1;
	v16 =	vor.u32 v12, v15;
	v18 =	vmov s20;
	s20 =	simm.s32 $0x2;
	v17 =	vld.idx.msk [tilespmem:v17+s23+$0x0], $0xffff  }
.LBB2_8:
0xac: {  	p0 =	sne.s32 s20, $0x3F;
	v20 =	vshll.u32 v18, $0x3;
	v21 =	vor.u32 s3, v16;
	v22 =	vand.u32 $0xFFFFFF80, v19;
	s3 =	smov.u32 s2;
	s2 =	smov.u32 s20  }
0xad: {  	v19 =	vand.u32 $0x7F, v19;
	v20 =	vand.u32 $0x7FFFFC00, v20;
	v22 =	vadd.s32 v12, v22  }
0xae: {  	v18 =	vand.u32 $0x7F, v18;
	v20 =	vadd.s32 v13, v20;
	v19 =	vor.u32 v19, v22  }
0xaf: {  	v18 =	vor.u32 v18, v20  }
0xb0: {  	v17 =	vmul.f32 v17, v14  }
.Ltmp2:
0xb1: {  	(pc) =	sbr.rel @p0 .LBB2_8-.Ltmp2, $4  }
0xb2: {  	[tilespmem:v21+s15+$0x0] =	vst.idx.msk $0xffff, v17  }
0xb3: {  	[tilespmem:v19+s15+$0x0] =	vst.idx.msk $0xffff, v2  }
0xb4: {  	s24 =	sadd.s32 s13, s20;
	v19 =	vsub.s32 s3, v15;
	v17 =	vld.idx.msk [tilespmem:v18+s23+$0x0], $0xffff  }
0xb5: {  	s20 =	sadd.s32 $0x1, s20;
	v18 =	vmov s24;
	v19 =	vadd.s32 $0x40, v19  }
0xb6: {  	v20 =	vshll.u32 v18, $0x3;
	v21 =	vor.u32 s3, v16;
	v22 =	vand.u32 $0xFFFFFF80, v19  }
0xb7: {  	v59 =	vand.u32 $0x7F, v19;
	v20 =	vand.u32 $0x7FFFFC00, v20;
	v22 =	vadd.s32 v12, v22  }
0xb8: {  	v60 =	vand.u32 $0x7F, v18;
	v13 =	vadd.s32 v13, v20;
	v19 =	vor.u32 v59, v22  }
0xb9: {  	v13 =	vor.u32 v60, v13  }
0xba: {  	v17 =	vmul.f32 v17, v14;
	_ =	sdelay $0x1  }
0xbb: {  	[tilespmem:v21+s15+$0x0] =	vst.idx.msk $0xffff, v17  }
0xbc: {  	v15 =	vsub.s32 s2, v15;
	[tilespmem:v19+s15+$0x0] =	vst.idx.msk $0xffff, v2  }
0xbd: {  	v15 =	vadd.s32 $0x40, v15;
	v13 =	vld.idx.msk [tilespmem:v13+s23+$0x0], $0xffff  }
0xbe: {  	v61 =	vand.u32 $0xFFFFFF80, v15  }
0xbf: {  	v62 =	vor.u32 s2, v16;
	s1 =	sadd.s32 $0x1, s1;
	v15 =	vand.u32 $0x7F, v15;
	v63 =	vadd.s32 v12, v61  }
0xc0: {  	p0 =	sne.s32 s1, $0x5;
	v12 =	vor.u32 v15, v63  }
.Ltmp3:
0xc1: {  	_ = 	snop;
	(pc) =	sbr.rel @p0 .LBB2_5-.Ltmp3, $3  }
0xc2: {  	v13 =	vmul.f32 v13, v14;
	_ =	sdelay $0x1  }
0xc3: {  	[tilespmem:v62+s15+$0x0] =	vst.idx.msk $0xffff, v13  }
0xc4: {  	[tilespmem:v12+s15+$0x0] =	vst.idx.msk $0xffff, v2  }
0xc5: {  	s1 =	rddreg [dreg:$0x2]  }
0xc6: {  	[spmem:s1] =	stream.indirect.scatter.add.f32 [tilespmem:s15], [sflag:$0x3], $0x80, s16, s22, $0xb8;
	[tilespmem:$0x17E00] =	vst v63  }
0xc7: {  	_ =	swait.ge [sflag:s18], $0x2800  }
0xc8: {  	[sflag:s18] =	ssyncset.done $0x0  }
0xc9: {  	[sflag:s18] =	ssyncadd.s32 $0xFFFFD800  }
0xca: {  	s24 =	rddreg [dreg:$0x3]  }
0xcb: {  	[spmem:s24] =	stream.indirect.scatter.add.f32 [tilespmem:s14], [sflag:$0x3], $0x80, s17, s22, $0xb8;
	[tilespmem:$0x17E00] =	vst v63  }
0xcc: {  	_ =	swait.ge [sflag:s18], $0x2800  }
0xcd: {  	[sflag:s18] =	ssyncset.done $0x0  }
0xce: {  	[sflag:s18] =	ssyncadd.s32 $0xFFFFD800  }
0xcf: {  	v12 =	vld [tilespmem:$0xC880];
	_ =	sdelay $0x4  }
0xd0: {  	v12 =	vshll.u32 v12, $0x3  }
0xd1: {  	v12 =	vand.u32 $0x78, v12  }
0xd2: {  	v12 =	vor.u32 v3, v12;
	_ =	sdelay $0x4  }
0xd3: {  	[tilespmem:v12+s14+$0x0] =	vst.idx.msk $0xffff, v2  }
0xd4: {  	v12 =	vld [tilespmem:$0xC890];
	_ =	sdelay $0x4  }
0xd5: {  	v12 =	vshll.u32 v12, $0x3  }
0xd6: {  	v12 =	vand.u32 $0x78, v12  }
0xd7: {  	v12 =	vor.u32 v8, v12;
	_ =	sdelay $0x4  }
0xd8: {  	[tilespmem:v12+s14+$0x0] =	vst.idx.msk $0xffff, v2  }
0xd9: {  	v12 =	vld [tilespmem:$0xC8A0];
	_ =	sdelay $0x4  }
0xda: {  	v12 =	vshll.u32 v12, $0x3  }
0xdb: {  	v12 =	vand.u32 $0x78, v12  }
0xdc: {  	v12 =	vor.u32 v9, v12;
	_ =	sdelay $0x4  }
0xdd: {  	[tilespmem:v12+s14+$0x0] =	vst.idx.msk $0xffff, v2  }
0xde: {  	v12 =	vld [tilespmem:$0xC8B0];
	_ =	sdelay $0x4  }
0xdf: {  	v12 =	vshll.u32 v12, $0x3  }
0xe0: {  	v12 =	vand.u32 $0x78, v12  }
0xe1: {  	v12 =	vor.u32 v10, v12;
	_ =	sdelay $0x4  }
0xe2: {  	[tilespmem:v12+s14+$0x0] =	vst.idx.msk $0xffff, v2  }
0xe3: {  	v12 =	vld [tilespmem:$0xC8C0];
	_ =	sdelay $0x4  }
0xe4: {  	v12 =	vshll.u32 v12, $0x3  }
0xe5: {  	s19 =	sadd.s32 $0x1, s19;
	v12 =	vand.u32 $0x78, v12  }
0xe6: {  	p0 =	sne.s32 s19, $0xFA;
	v12 =	vor.u32 v11, v12  }
.Ltmp4:
0xe7: {  	_ = 	snop;
	(pc) =	sbr.rel @p0 .LBB2_4-.Ltmp4, $2  }
0xe8: {  	_ =	sdelay $0x2  }
0xe9: {  	[tilespmem:v12+s14+$0x0] =	vst.idx.msk $0xffff, v2  }
0xea: {  	[bflag:$0x0] =	sbarrier.arrive $0xFFFF  }
0xeb: {  	s11 =	rddreg [dreg:$0x7]  }
0xec: {  	s1 =	rddreg [dreg:$0x8]  }
0xed: {  	s2 =	rddreg [dreg:$0xb]  }
0xee: {  	[hbm:s1], [sflag:s11] =	dma.local [spmem:s2], $0x1400  }
0xef: {  	_ =	swait.ge [sflag:s18], $0x1400  }
0xf0: {  	[sflag:s18] =	ssyncset.done $0x0;
	s20 =	rddreg [dreg:$0x9]  }
0xf1: {  	s3 =	rddreg [dreg:$0xc];
	[sflag:s18] =	ssyncadd.s32 $0xFFFFEC00  }
0xf2: {  	[hbm:s20], [sflag:s11] =	dma.local [spmem:s3], $0x280  }
0xf3: {  	_ =	swait.ge [sflag:s18], $0x280  }
0xf4: {  	s19 =	rddreg [dreg:$0xd]  }
0xf5: {  	s24 =	rddreg [dreg:$0xa];
	s19 =	sadd.s32 $0x1, s19  }
0xf6: {  	p0 =	sne.s32 s19, s24  }
.Ltmp5:
0xf7: {  	_ = 	snop;
	(pc) =	sbr.rel @p0 .LBB2_1-.Ltmp5, $3  }
0xf8: {  	_ =	sdelay $0x1  }
0xf9: {  	[sflag:s18] =	ssyncset.done $0x0  }
0xfa: {  	[sflag:s18] =	ssyncadd.s32 $0xFFFFFD80  }
0xfb: {  	_ =	sfence.sel $0x180000  }
0xfc: {  	[bflag:$0x0] =	sbarrier.arrive $0xFFFF  }
0xfd: {  	_ =	strace $0x9000004A  }
0xfe: {  	s0 =	stileid.u32;
	[bflag:$0x2] =	sbarrier.arrive $0xFFFF  }
0xff: {  	p0 =	sne.s32 s0, $0x0;
	s0 =	rddreg [dreg:$0x4]  }
0x100: {  	s0 =	sadd.s32 @!p0 $0x100000, s0  }
0x101: {  	[sflag:s0] =	ssyncadd.tile.s32 @!p0 $0x1;
	_ =	shalt  }
.Lfunc_end2:
_tile_overlayer_lowered:
.L_overlay_start_2:
0x102: {  	(tag) =	ssettag $0x2  }
0x103: {  	s0 =	rddreg [dreg:$0x0];
	s2 =	stileid.u32  }
0x104: {  	s1 =	rddreg [dreg:$0x1];
	p0 =	sne.s32 s2, $0x0  }
0x105: {  	s3 =	rddreg [dreg:$0x2];
	[bflag:$0x3] =	sbarrier.arrive $0xFFFF;
	s2 =	simm.s32 @!p0 $0x1C03  }
0x106: {  	[timem:s3], [sflag:s2] =	dma.local @!p0 [hbm:s0], s1  }
0x107: {  	s0 =	simm.s32 @!p0 $0x3  }
0x108: {  	_ =	swait.ge @!p0 [sflag:s0], s1  }
0x109: {  	s1 =	ssub.s32 @!p0 $0x0, s1;
	[sflag:s0] =	ssyncset.done @!p0 $0x0  }
0x10a: {  	[sflag:s0] =	ssyncadd.s32 @!p0 s1  }
0x10b: {  	[bflag:$0x3] =	sbarrier.arrive $0xFFFF  }
0x10c: {  	_ =	shalt  }

// kernel: kernel.7.cloned.1.call-start
scs
__scs_entry_jumppad:
0x0: {  	(pc) =	sbr.rel $0x88, $3  }
0x1: {  	(tag) =	ssettag $0x0;
	lr =	simm.s32 $0x1  }
0x2: {  	[smem:$0x3F8F] =	sst lr;
	_ =	strace $0xD0000000  }
0x3: {  	_ = 	snop  }
0x4: {  	_ = 	snop  }
0x5: {  	_ = 	snop  }
0x6: {  	_ = 	snop  }
0x7: {  	_ = 	snop  }
__scs_overlays_trampoline_lowered:
0x8: {  	[smem:$0x3F9E] =	sst s0  }
0x9: {  	[smem:$0x3F9F] =	sst s1  }
0xa: {  	[smem:$0x3FA0] =	sst s2  }
0xb: {  	[smem:$0x3FA1] =	sst s3  }
0xc: {  	[smem:$0x3FA2] =	sst s4  }
0xd: {  	[smem:$0x3FA3] =	sst s5  }
0xe: {  	[smem:$0x3FA4] =	sst s6  }
0xf: {  	[smem:$0x3FA5] =	sst s7  }
0x10: {  	[smem:$0x3FA6] =	sst s8  }
0x11: {  	[smem:$0x3FA7] =	sst s9;
	s0 =	simm.s32 @!p0 $0x0  }
0x12: {  	s1 =	sld [smem:$0x3F8D];
	s0 =	simm.s32 @p0 $0x1  }
0x13: {  	[smem:$0x3FA8] =	sst s0;
	s0 =	simm.s32 @!p1 $0x0  }
0x14: {  	s2 =	sld [smem:$0x3F8C];
	s0 =	simm.s32 @p1 $0x1  }
0x15: {  	[smem:$0x3FA9] =	sst s0;
	s0 =	simm.s32 @!p2 $0x0  }
0x16: {  	s3 =	sld [smem:$0x3FDB];
	s0 =	simm.s32 @p2 $0x1  }
0x17: {  	s4 =	simm.s32 $0x1BF5;
	[smem:$0x3FAB] =	sst s0  }
0x18: {  	s0 =	sld [smem:$0x3F8E];
	_ =	swait.ge [sflag:s4], $0x0  }
0x19: {  	s7 =	sld [smem:$0x3F8F]  }
0x1a: {  	s8 =	sadd.s32 $0xFFFFE003, lr  }
0x1b: {  	s9 =	sadd.s32 $0xFFFFFEF7, lr;
	s5 =	simm.s32 $0xFFFFFFFF;
	p2 =	slt.u32 s8, $0xFFFFF086  }
0x1c: {  	p1 =	slt.u32 s9, $0xF7A;
	s5 =	simm.s32 @!p2 $0x0  }
0x1d: {  	s5 =	simm.s32 @p1 $0x1;
	p0 =	seq.s32 s7, s2  }
0x1e: {  	s7 =	smul.u32 @!p0 $0xF7A, s2;
	p2 =	seq.s32 @!p0 s5, $0x0  }
0x1f: {  	s9 =	smul.u32 $0xF7A, s1;
	s8 =	simm.s32 @!p0 $0x1BF5;
	p2 =	por !p2, p0  }
0x20: {  	[sflag:s8] =	ssyncset.s32 @!p0 $0xFFFFF086;
	s6 =	sadd.s32 @!p0 s3, s7;
	s7 =	simm.s32 @!p0 $0x108  }
0x21: {  	s3 =	sadd.s32 s3, s9;
	s6 =	sadd.s32 @!p0 $0x88, s6;
	s7 =	simm.s32 @p2 $0x1082  }
0x22: {  	[simem:s7], [sflag:s8] =	dma.local @!p0 [hbm:s6], $0xF7A  }
0x23: {  	s9 =	sor.u32 $0xD0000000, s2;
	s6 =	simm.s32 $0x108;
	_ =	swait.ge @!p0 [sflag:s8], $0x0  }
0x24: {  	s3 =	sadd.s32 $0x88, s3;
	s6 =	simm.s32 @!p1 $0x1082;
	[sflag:s4] =	ssyncset.s32 $0xFFFFF086  }
0x25: {  	[simem:s6], [sflag:s4] =	dma.local [hbm:s3], $0xF7A  }
0x26: {  	[smem:$0x3F8F] =	sst s1;
	(tag) =	ssettag s2;
	_ =	strace s9  }
0x27: {  	s1 =	sld [smem:$0x3F9F]  }
0x28: {  	s2 =	sld [smem:$0x3FA0]  }
0x29: {  	s4 =	sld [smem:$0x3FA2]  }
0x2a: {  	p0 =	seq.s32 s5, $0x0;
	s5 =	sld [smem:$0x3FA3]  }
0x2b: {  	s6 =	sld [smem:$0x3FA4]  }
0x2c: {  	s7 =	sld [smem:$0x3FA5]  }
0x2d: {  	s3 =	simm.s32 $0x108;
	s8 =	sld [smem:$0x3FA6]  }
0x2e: {  	s3 =	simm.s32 @!p0 $0x1082;
	s9 =	sld [smem:$0x3FA7]  }
0x2f: {  	lr =	sadd.s32 s0, s3;
	s0 =	sld [smem:$0x3F9E]  }
0x30: {  	s3 =	sld [smem:$0x3FA1]  }
0x31: {  	[smem:$0x3FAA] =	sst s10  }
0x32: {  	s10 =	sld [smem:$0x3FA8];
	_ =	sdelay $0x3  }
0x33: {  	p0 =	seq.s32 s10, $0x1;
	s10 =	sld [smem:$0x3FAA];
	_ =	sdelay $0x3  }
0x34: {  	[smem:$0x3FAA] =	sst s10  }
0x35: {  	s10 =	sld [smem:$0x3FA9];
	_ =	sdelay $0x3  }
0x36: {  	p1 =	seq.s32 s10, $0x1;
	s10 =	sld [smem:$0x3FAA];
	_ =	sdelay $0x3  }
0x37: {  	[smem:$0x3FAA] =	sst s10  }
0x38: {  	s10 =	sld [smem:$0x3FAB]  }
0x39: {  	_ = 	snop;
	(pc) =	sbr.ind lr, $3  }
0x3a: {  	_ = 	snop  }
0x3b: {  	_ = 	snop  }
0x3c: {  	p2 =	seq.s32 s10, $0x1;
	s10 =	sld [smem:$0x3FAA]  }
0x3d: {  	_ =	shalt  }
0x3e: {  	_ =	shalt  }
0x3f: {  	_ =	shalt  }
0x40: {  	_ =	shalt  }
0x41: {  	_ =	shalt  }
0x42: {  	_ =	shalt  }
0x43: {  	_ =	shalt  }
0x44: {  	_ =	shalt  }
0x45: {  	_ =	shalt  }
0x46: {  	_ =	shalt  }
0x47: {  	_ =	shalt  }
0x48: {  	_ =	shalt  }
0x49: {  	_ =	shalt  }
0x4a: {  	_ =	shalt  }
0x4b: {  	_ =	shalt  }
0x4c: {  	_ =	shalt  }
0x4d: {  	_ =	shalt  }
0x4e: {  	_ =	shalt  }
0x4f: {  	_ =	shalt  }
0x50: {  	_ =	shalt  }
0x51: {  	_ =	shalt  }
0x52: {  	_ =	shalt  }
0x53: {  	_ =	shalt  }
0x54: {  	_ =	shalt  }
0x55: {  	_ =	shalt  }
0x56: {  	_ =	shalt  }
0x57: {  	_ =	shalt  }
0x58: {  	_ =	shalt  }
0x59: {  	_ =	shalt  }
0x5a: {  	_ =	shalt  }
0x5b: {  	_ =	shalt  }
0x5c: {  	_ =	shalt  }
0x5d: {  	_ =	shalt  }
0x5e: {  	_ =	shalt  }
0x5f: {  	_ =	shalt  }
0x60: {  	_ =	shalt  }
0x61: {  	_ =	shalt  }
0x62: {  	_ =	shalt  }
0x63: {  	_ =	shalt  }
0x64: {  	_ =	shalt  }
0x65: {  	_ =	shalt  }
0x66: {  	_ =	shalt  }
0x67: {  	_ =	shalt  }
0x68: {  	_ =	shalt  }
0x69: {  	_ =	shalt  }
0x6a: {  	_ =	shalt  }
0x6b: {  	_ =	shalt  }
0x6c: {  	_ =	shalt  }
0x6d: {  	_ =	shalt  }
0x6e: {  	_ =	shalt  }
0x6f: {  	_ =	shalt  }
0x70: {  	_ =	shalt  }
0x71: {  	_ =	shalt  }
0x72: {  	_ =	shalt  }
0x73: {  	_ =	shalt  }
0x74: {  	_ =	shalt  }
0x75: {  	_ =	shalt  }
0x76: {  	_ =	shalt  }
0x77: {  	_ =	shalt  }
0x78: {  	_ =	shalt  }
0x79: {  	_ =	shalt  }
0x7a: {  	_ =	shalt  }
0x7b: {  	_ =	shalt  }
0x7c: {  	_ =	shalt  }
0x7d: {  	_ =	shalt  }
0x7e: {  	_ =	shalt  }
0x7f: {  	_ =	shalt  }
0x80: {  	_ =	shalt  }
0x81: {  	_ =	shalt  }
0x82: {  	_ =	shalt  }
0x83: {  	_ =	shalt  }
0x84: {  	_ =	shalt  }
0x85: {  	_ =	shalt  }
0x86: {  	_ =	shalt  }
0x87: {  	_ =	shalt  }
.Lfunc_end0:
.L_simem_size_0:
called_computation_lowered:
.L_overlay_start_0:
0x88: {  	s2 =	sld [smem:$0x3FD9]  }
0x89: {  	s3 =	sld [smem:$0x3FFE];
	_ =	sdelay $0x1  }
0x8a: {  	s1 =	srdreg.scid  }
0x8b: {  	s0 =	sand.u32 $0x1, s1  }
0x8c: {  	s17 =	sshll.u32 s0, $0xA;
	s2 =	sadd.s32 s3, s2  }
0x8d: {  	s2 =	sadd.s32 s2, s17  }
0x8e: {  	[smem:$0x3FB6] =	sst s2  }
0x8f: {  	_ = 	snop  }
0x90: {  	s2 =	sld [smem:$0x3FD0];
	(tm) =	ssettm $0x1  }
0x91: {  	s18 =	sld [smem:$0x3FFB];
	_ =	sdelay $0x3  }
0x92: {  	_ =	strace s18  }
0x93: {  	s3 =	sld [smem:$0x3FFC];
	_ =	sdelay $0x3  }
0x94: {  	_ =	strace s3  }
0x95: {  	s3 =	sld [smem:$0x3FFD];
	_ =	sdelay $0x3  }
0x96: {  	_ =	strace s3  }
0x97: {  	_ =	strace $0x8FFFFFFF  }
0x98: {  	s19 =	sld [smem:$0x3FDB];
	_ =	sdelay $0x1  }
0x99: {  	s4 =	simm.s32 $_scs_section_size  }
0x9a: {  	s5 =	simm.s32 $_size__tile_overlayer_lowered;
	s6 =	simm.s32 $_tile_overlayer_lowered  }
0x9b: {  	s22 =	simm.s32 $0x1BFF;
	s21 =	sshll.u32 s6, $0x1;
	s3 =	sadd.s32 s4, s19  }
0x9c: {  	s7 =	simm.s32 $0x0;
	s20 =	sshll.u32 s5, $0x1;
	s5 =	sadd.s32 s21, s3  }
0x9d: {  	[timem:s7], [sflag:s22] =	dma.local [hbm:s5], s20  }
0x9e: {  	_ =	swait.ge [sflag:s22], s20  }
0x9f: {  	s4 =	ssub.s32 $0x0, s20;
	[sflag:s22] =	ssyncset.done $0x0  }
0xa0: {  	[sflag:s22] =	ssyncadd.s32 s4;
	_ =	sdelay $0x1  }
0xa1: {  	s23 =	simm.s32 $0x1B8B  }
0xa2: {  	_ =	swait.ge [sflag:s23], $0x1  }
0xa3: {  	[sflag:s23] =	ssyncset.done $0x0  }
0xa4: {  	s25 =	simm.s32 $0x1B8E;
	s24 =	sld [smem:$0x3FFE];
	[sflag:s23] =	ssyncadd.s32 $0xFFFFFFFF  }
0xa5: {  	s26 =	simm.s32 $execute0_lowered;
	[smem:$0x3FD2] =	sst s25  }
0xa6: {  	s5 =	sshll.u32 s26, $0x1;
	_ =	strace $0x80000046;
	[dreg:$0x1] =	wrdreg $0xFFFFFFFF  }
0xa7: {  	s28 =	simm.s32 $_size_execute0_lowered;
	s3 =	sadd.s32 s3, s5;
	[dreg:$0x0] =	wrdreg $0x0  }
0xa8: {  	s5 =	sshll.u32 s28, $0x1;
	[dreg:$0x2] =	wrdreg s3  }
0xa9: {  	[dreg:$0x3] =	wrdreg s5  }
0xaa: {  	[dreg:$0x4] =	wrdreg $0xC0  }
0xab: {  	_ =	task [dreg:s7], $0x5FFFF  }
0xac: {  	[dreg:$0x1] =	wrdreg $0xFFFFFFFF  }
0xad: {  	[dreg:$0x0] =	wrdreg $0x60  }
0xae: {  	[dreg:$0x2] =	wrdreg s2  }
0xaf: {  	[dreg:$0x3] =	wrdreg s24  }
0xb0: {  	[dreg:$0x4] =	wrdreg $0xA2000  }
0xb1: {  	[dreg:$0x5] =	wrdreg $0x142000  }
0xb2: {  	[dreg:$0x6] =	wrdreg $0x9  }
0xb3: {  	_ =	task.clear_ibuf [dreg:s7], $0x7FFFF;
	_ =	strace $0x90000046  }
0xb4: {  	s29 =	simm.s32 $0x9;
	_ =	strace $0x80000048  }
0xb5: {  	_ =	swait.ge [sflag:s29], $0x1  }
0xb6: {  	[sflag:s29] =	ssyncadd.s32 $0xFFFFFFFF  }
0xb7: {  	_ =	strace $0x90000048  }
0xb8: {  	_ =	sfence  }
0xb9: {  	s30 =	sld [smem:$0x0];
	_ =	sdelay $0x2  }
0xba: {  	s31 =	sshll.u32 s1, $0xD;
	s1 =	sshrl.u32 s1, $0x2  }
0xbb: {  	s3 =	sand.u32 $0x4000, s31;
	s1 =	sadd.s32 s1, s30  }
0xbc: {  	s0 =	sor.u32 s3, s0;
	s1 =	sshll.u32 s1, $0x11  }
0xbd: {  	s0 =	sor.u32 s1, s0  }
0xbe: {  	s0 =	sadd.s32 $0x8F2B, s0  }
0xbf: {  	[sflag:s0] =	ssyncadd.remote.s32 $0x1  }
0xc0: {  	_ =	sfence.sel $0xFFFF  }
0xc1: {  	[dreg:$0x0] =	wrdreg $0xFFFFFFFF;
	(pc) =	sbr.abs _section_cstart, $3  }
0xc2: {  	[dreg:$0x1] =	wrdreg $0xFFFFFFFF  }
0xc3: {  	_ =	task.clear_ibuf [dreg:s7], $0x2FFFF;
	_ =	strace $0x9FFFFFFF  }
0xc4: {  	(tm) =	ssettm $0x7FFFFFFF  }
0xc5: {  	_ =	shalt  }
tec
execute0_lowered:
.L_overlay_start_1:
0x0: {  	(tag) =	ssettag $0x1  }
0x1: {  	s1 =	rddreg [dreg:$0x0]  }
0x2: {  	s0 =	rddreg [dreg:$0x1]  }
0x3: {  	s2 =	rddreg [dreg:$0x2]  }
0x4: {  	s3 =	rddreg [dreg:$0x3];
	s4 =	srdreg.scid  }
0x5: {  	s5 =	simm.s32 $0x0;
	s17 =	stileid.u32;
	s28 =	simm.s32 $0x7800  }
0x6: {  	s29 =	simm.s32 $0x5000;
	s30 =	simm.s32 $0xA100;
	s9 =	smul.u32 $0xA000, s17  }
0x7: {  	s31 =	simm.s32 $0xA180;
	s4 =	sand.u32 $0x1, s4;
	s16 =	smul.u32 $0x1400, s17  }
0x8: {  	[smem:$0x7FF] =	sst s5;
	s6 =	sadd.s32 $0xDC00, s0;
	s20 =	smul.u32 $0x28000, s17  }
0x9: {  	s7 =	sadd.s32 $0x3E00, s0;
	s11 =	sadd.s32 $0x65E00, s0;
	s13 =	smul.u32 $0x5000, s17  }
0xa: {  	s18 =	sadd.s32 $0x67200, s0;
	s22 =	sshll.u32 s17, $0x6;
	s8 =	smul.u32 $0xA0000, s4  }
0xb: {  	_ =	strace $0x80000047;
	s10 =	smul.u32 $0x14000, s4;
	[dreg:$0x5] =	wrdreg s11  }
0xc: {  	[dreg:$0x6] =	wrdreg s18;
	s19 =	ssub.s32 $0x2, s4;
	s11 =	smul.u32 $0x4E20, s17  }
0xd: {  	p0 =	seq.s32 s4, $0x1;
	s12 =	sshrl.u32 s19, $0x1;
	s21 =	sshrl.u32 s20, $0x2  }
0xe: {  	s23 =	sshrl.u32 s13, $0x2;
	s8 =	sadd.s32 s9, s8;
	s9 =	sadd.s32 s16, s10  }
0xf: {  	s14 =	ssub.s32 s19, s12;
	s15 =	sadd.s32 s21, s2;
	s10 =	sor.u32 $0x1C03, s22  }
0x10: {  	s16 =	sadd.s32 s23, s3;
	s12 =	sshll.u32 s4, $0x6;
	s4 =	simm.s32 $0x3EC00  }
0x11: {  	s19 =	simm.s32 $0x3;
	s21 =	simm.s32 $0xA000;
	s22 =	simm.s32 $0xA080  }
0x12: {  	s23 =	simm.s32 $0x50;
	s8 =	sshrl.u32 s8, $0x3;
	s9 =	sshrl.u32 s9, $0x3  }
0x13: {  	v0 =	vlaneseq.u32;
	s13 =	sor.u32 $0x20, s12;
	s26 =	smax.u32 s14, $0x1;
	s4 =	simm.s32 @!p0 $0x17A00  }
0x14: {  	v0 =	vmul.u32 $0x80, v0;
	s8 =	sadd.s32 s8, s0;
	s9 =	sadd.s32 s9, s0;
	[dreg:$0x9] =	wrdreg s26  }
0x15: {  	v1 =	vimm.f32 $0.0e+00;
	s17 =	sadd.s32 s4, s0;
	s26 =	simm.s32 $0x1;
	s24 =	sadd.s32 $0x67600, s8  }
0x16: {  	v2 =	vor.u32 $0x1, v0;
	v3 =	vor.u32 $0x800, v0;
	v4 =	vor.u32 $0x801, v0;
	s0 =	simm.s32 $0x0;
	s25 =	sadd.s32 $0x8F600, s9;
	[dreg:$0x7] =	wrdreg s24  }
0x17: {  	v5 =	vor.u32 $0x1000, v0;
	v6 =	vor.u32 $0x1001, v0;
	v7 =	vor.u32 $0x1800, v0;
	s8 =	sshrl.u32 s15, $0x3;
	s9 =	sshrl.u32 s16, $0x3;
	[dreg:$0x8] =	wrdreg s25  }
0x18: {  	v8 =	vor.u32 $0x1801, v0;
	v9 =	vor.u32 $0x2000, v0;
	v10 =	vor.u32 $0x2001, v0;
	s24 =	simm.s32 $0x2800;
	s25 =	simm.s32 $0x2;
	[dreg:$0xa] =	wrdreg s9  }
.LBB2_1:
0x19: {  	s4 =	rddreg [dreg:$0x5]  }
0x1a: {  	[spmem:s8], [sflag:s10] =	dma.local [hbm:s4], $0x1400  }
0x1b: {  	_ =	swait.ge [sflag:s19], $0x1400  }
0x1c: {  	[sflag:s19] =	ssyncset.done $0x0  }
0x1d: {  	s18 =	rddreg [dreg:$0x6];
	[sflag:s19] =	ssyncadd.s32 $0xFFFFEC00  }
0x1e: {  	[spmem:s9], [sflag:s10] =	dma.local [hbm:s18], $0x280  }
0x1f: {  	_ =	swait.ge [sflag:s19], $0x280  }
0x20: {  	s20 =	smov.u32 s8;
	[sflag:s19] =	ssyncset.done $0x0  }
0x21: {  	s4 =	simm.s32 $0x0;
	s8 =	simm.s32 $0x200;
	[sflag:s19] =	ssyncadd.s32 $0xFFFFFD80  }
.LBB2_2:
0x22: {  	p0 =	sne.s32 s8, $0x9E00;
	[tilespmem:s4+$0x7870] =	vst v1  }
0x23: {  	[tilespmem:s4+$0x7800] =	vst v1  }
0x24: {  	[tilespmem:s4+$0x7810] =	vst v1  }
.Ltmp0:
0x25: {  	[tilespmem:s4+$0x7820] =	vst v1;
	(pc) =	sbr.rel @p0 .LBB2_2-.Ltmp0, $4  }
0x26: {  	[tilespmem:s4+$0x7830] =	vst v1  }
0x27: {  	[tilespmem:s4+$0x7840] =	vst v1  }
0x28: {  	[tilespmem:s4+$0x7850] =	vst v1  }
0x29: {  	[tilespmem:s4+$0x7860] =	vst v1;
	s4 =	sshra.s32 s8, $0x2;
	s8 =	sadd.s32 $0x200, s8  }
0x2a: {  	[tilespmem:s4+$0x7870] =	vst v1  }
0x2b: {  	[tilespmem:s4+$0x7800] =	vst v1  }
0x2c: {  	[tilespmem:s4+$0x7810] =	vst v1  }
0x2d: {  	[tilespmem:s4+$0x7820] =	vst v1  }
0x2e: {  	[tilespmem:s4+$0x7830] =	vst v1  }
0x2f: {  	[tilespmem:s4+$0x7840] =	vst v1  }
0x30: {  	[tilespmem:s4+$0x7850] =	vst v1  }
0x31: {  	[tilespmem:s4+$0x7860] =	vst v1  }
0x32: {  	s4 =	simm.s32 $0x0;
	s8 =	simm.s32 $0x0;
	[bflag:$0x0] =	sbarrier.arrive $0xFFFF  }
.LBB2_4:
0x33: {  	s9 =	smul.u32 $0x50, s8;
	_ =	sdelay $0x1  }
0x34: {  	s9 =	sadd.s32 s11, s9  }
0x35: {  	s9 =	sshrl.u32 s9, $0x3  }
0x36: {  	s14 =	sadd.s32 s6, s9  }
0x37: {  	[tilespmem:s21], [sflag:$0x3] =	stream.linear.gather [hbm4b:s14+s4], $0x50, $0x38;
	[tilespmem:$0x15600] =	vst v63  }
0x38: {  	_ =	swait.ge [sflag:s19], $0x50  }
0x39: {  	[sflag:s19] =	ssyncset.done $0x0  }
0x3a: {  	s9 =	sadd.s32 s7, s9;
	[sflag:s19] =	ssyncadd.s32 $0xFFFFFFB0  }
0x3b: {  	[tilespmem:s22], [sflag:$0x3] =	stream.linear.gather [hbm4b:s9+s4], $0x50, $0x38;
	[tilespmem:$0x15600] =	vst v63  }
0x3c: {  	_ =	swait.ge [sflag:s19], $0x50  }
0x3d: {  	[sflag:s19] =	ssyncset.done $0x0  }
0x3e: {  	[sflag:s19] =	ssyncadd.s32 $0xFFFFFFB0  }
0x3f: {  	[tilespmem:s4], [sflag:$0x1] =	stream.indirect.gather [hbm4b:s1+s23], $0x80, s22, s23, $0xb8;
	[tilespmem:$0x15600] =	vst v63  }
0x40: {  	_ = 	snop  }
0x41: {  	[tilespmem:s24], [sflag:$0x2] =	stream.indirect.gather [hbm4b:s17+s23], $0x80, s21, s23, $0xb8;
	[tilespmem:$0x15600] =	vst v63  }
0x42: {  	_ =	swait.ge [sflag:s25], $0x2800  }
0x43: {  	[sflag:s25] =	ssyncset.done $0x0  }
0x44: {  	[sflag:s25] =	ssyncadd.s32 $0xFFFFD800  }
0x45: {  	_ =	swait.ge [sflag:s26], $0x2800  }
0x46: {  	[sflag:s26] =	ssyncset.done $0x0  }
0x47: {  	[sflag:s26] =	ssyncadd.s32 $0xFFFFD800  }
0x48: {  	v11 =	vld [tilespmem:$0xA080];
	_ =	sdelay $0x1  }
0x49: {  	v12 =	vld [tilespmem:$0xA090];
	_ =	sdelay $0x1  }
0x4a: {  	v13 =	vld [tilespmem:$0xA0A0]  }
0x4b: {  	v14 =	vshrl.u32 v11, $0x1  }
0x4c: {  	v62 =	vld [tilespmem:$0xA0B0];
	v11 =	vshrl.u32 v11, $0x4;
	[tilespmem:$0xA100] =	vst v14  }
0x4d: {  	[tilespmem:$0xA180] =	vst v11;
	v11 =	vshrl.u32 v12, $0x1  }
0x4e: {  	v63 =	vld [tilespmem:$0xA0C0];
	[tilespmem:$0xA110] =	vst v11;
	v11 =	vshrl.u32 v12, $0x4  }
0x4f: {  	[tilespmem:$0xA190] =	vst v11;
	v11 =	vshrl.u32 v13, $0x1  }
0x50: {  	[tilespmem:$0xA120] =	vst v11;
	v11 =	vshrl.u32 v13, $0x4  }
0x51: {  	[tilespmem:$0xA1A0] =	vst v11;
	v11 =	vshrl.u32 v62, $0x1  }
0x52: {  	[tilespmem:$0xA130] =	vst v11;
	v11 =	vshrl.u32 v62, $0x4  }
0x53: {  	[tilespmem:$0xA1B0] =	vst v11;
	v11 =	vshrl.u32 v63, $0x1  }
0x54: {  	[tilespmem:$0xA140] =	vst v11;
	v11 =	vshrl.u32 v63, $0x4  }
0x55: {  	s9 =	simm.s32 $0x0;
	[tilespmem:$0xA1C0] =	vst v11  }
.LBB2_5:
0x56: {  	s14 =	simm.s32 $0x0  }
0x57: {  	s15 =	sshll.u32 s9, $0x4;
	s16 =	sadd.s32 $0x0, s12;
	v11 =	vmov s14  }
0x58: {  	v12 =	vmov s15;
	v13 =	vmov s16;
	v11 =	vand.u32 $0x7F, v11  }
0x59: {  	v12 =	vshll.u32 v12, $0x7;
	v13 =	vand.u32 $0x7F, v13;
	v14 =	vbroadcast v11, $0x0  }
0x5a: {  	v11 =	vor.u32 v0, v12;
	v12 =	vbroadcast v13, $0x0  }
0x5b: {  	v13 =	vor.u32 v11, v14  }
0x5c: {  	s18 =	simm.s32 $0x1;
	v12 =	vor.u32 v11, v12  }
0x5d: {  	s16 =	sadd.s32 $0x1, s12;
	v14 =	vmov s18  }
0x5e: {  	v15 =	vmov s16;
	v14 =	vand.u32 $0x7F, v14  }
0x5f: {  	v15 =	vand.u32 $0x7F, v15;
	v14 =	vbroadcast v14, $0x0  }
0x60: {  	v15 =	vbroadcast v15, $0x0;
	v17 =	vld.idx.msk [tilespmem:v13+s24+$0x0], $0xffff  }
0x61: {  	s18 =	simm.s32 $0x2;
	v14 =	vor.u32 v11, v14;
	v18 =	vld.idx.msk [tilespmem:v12+s5+$0x0], $0xffff  }
0x62: {  	s16 =	sadd.s32 $0x2, s12;
	v15 =	vor.u32 v11, v15;
	v12 =	vmov s18  }
0x63: {  	v13 =	vmov s16;
	v12 =	vand.u32 $0x7F, v12  }
0x64: {  	v16 =	vand.u32 $0x7F, v13;
	v19 =	vbroadcast v12, $0x0  }
0x65: {  	v13 =	vld [tilespmem:s15+$0xA080];
	v20 =	vbroadcast v16, $0x0  }
0x66: {  	v14 =	vld.idx.msk [tilespmem:v14+s24+$0x0], $0xffff;
	v16 =	vor.u32 v11, v19;
	v18 =	vmul.f32 v17, v18  }
0x67: {  	s14 =	simm.s32 $0x3;
	v15 =	vld.idx.msk [tilespmem:v15+s5+$0x0], $0xffff;
	v12 =	vimm.f32 $0.0e+00;
	v17 =	vor.u32 v11, v20  }
.LBB2_6:
0x68: {  	v19 =	vmov s14;
	s15 =	sadd.s32 s12, s14;
	p0 =	sne.s32 s14, $0x1F;
	s14 =	sadd.s32 $0x1, s14;
	v12 =	vadd.f32 v18, v12  }
.Ltmp1:
0x69: {  	v22 =	vmov s15;
	v19 =	vand.u32 $0x7F, v19;
	(pc) =	sbr.rel @p0 .LBB2_6-.Ltmp1, $4  }
0x6a: {  	v21 =	vand.u32 $0x7F, v22;
	v19 =	vbroadcast v19, $0x0  }
0x6b: {  	v18 =	vmov v14;
	v20 =	vbroadcast v21, $0x0;
	v14 =	vld.idx.msk [tilespmem:v16+s24+$0x0], $0xffff  }
0x6c: {  	v18 =	vmul.f32 v18, v15;
	v16 =	vor.u32 v11, v19;
	v15 =	vld.idx.msk [tilespmem:v17+s5+$0x0], $0xffff  }
0x6d: {  	v17 =	vor.u32 v11, v20  }
0x6e: {  	_ =	sdelay $0x3  }
0x6f: {  	v16 =	vld.idx.msk [tilespmem:v16+s24+$0x0], $0xffff  }
0x70: {  	v17 =	vld.idx.msk [tilespmem:v17+s5+$0x0], $0xffff;
	_ =	sdelay $0x2  }
0x71: {  	v12 =	vadd.f32 v18, v12;
	v14 =	vmul.f32 v14, v15;
	_ =	sdelay $0x1  }
0x72: {  	v12 =	vadd.f32 v14, v12;
	v14 =	vmul.f32 v16, v17;
	_ =	sdelay $0x1  }
0x73: {  	v12 =	vadd.f32 v14, v12;
	_ =	sdelay $0x1  }
0x74: {  	v12 =	vmul.f32 $1.767766920e-01, v12;
	_ =	sdelay $0x1  }
0x75: {  	v12 =	vmul.f32 $1.442695020e+00, v12;
	_ =	sdelay $0x1  }
0x76: {  	(erf) = vpow2.f32 v12;
	_ =	sdelay $0x2  }
0x77: {  	v12 =	vshll.u32 v13, $0x3  }
0x78: {  	v12 =	vand.u32 $0x78, v12  }
0x79: {  	s15 =	simm.s32 $0x0;
	v17 =	vor.u32 $0x40, v11;
	v14 =	vor.u32 v11, v12  }
0x7a: {  	v15 =	vor.u32 s15, v17;
	_ =	sdelay $0x2  }
0x7b: {  	v16 =	vpop (erf)  }
0x7c: {  	v13 =	vshll.u32 v13, $0x6;
	[tilespmem:v14+s28+$0x0] =	vst.idx.msk $0xffff, v16  }
0x7d: {  	v13 =	vand.u32 $0x40, v13;
	v15 =	vld.idx.msk [tilespmem:v15+s24+$0x0], $0xffff  }
0x7e: {  	v13 =	vor.u32 v11, v13  }
0x7f: {  	v19 =	vor.u32 s15, v13;
	v14 =	vxor.u32 $0x40, v13  }
0x80: {  	s14 =	simm.s32 $0x1;
	v18 =	vor.u32 s15, v14  }
0x81: {  	v20 =	vor.u32 s14, v17  }
0x82: {  	s18 =	simm.s32 $0x2;
	s16 =	simm.s32 $0x1;
	v21 =	vmul.f32 v15, v16  }
.LBB2_8:
0x83: {  	p0 =	sne.s32 s18, $0x1F  }
0x84: {  	v15 =	vimm.f32 $0.0e+00;
	[tilespmem:v19+s29+$0x0] =	vst.idx.msk $0xffff, v21  }
0x85: {  	[tilespmem:v18+s29+$0x0] =	vst.idx.msk $0xffff, v15  }
0x86: {  	v21 =	vld.idx.msk [tilespmem:v20+s24+$0x0], $0xffff;
	_ =	sdelay $0x1  }
.Ltmp2:
0x87: {  	(pc) =	sbr.rel @p0 .LBB2_8-.Ltmp2, $4  }
0x88: {  	v19 =	vor.u32 s16, v13  }
0x89: {  	v18 =	vor.u32 s16, v14;
	s16 =	smov.u32 s18  }
0x8a: {  	v20 =	vor.u32 s18, v17  }
0x8b: {  	s18 =	sadd.s32 $0x1, s18;
	v21 =	vmul.f32 v21, v16  }
0x8c: {  	_ =	sdelay $0x3  }
0x8d: {  	[tilespmem:v19+s29+$0x0] =	vst.idx.msk $0xffff, v21  }
0x8e: {  	[tilespmem:v18+s29+$0x0] =	vst.idx.msk $0xffff, v15  }
0x8f: {  	s18 =	sadd.s32 $0x0, s13;
	v18 =	vmov s15;
	v17 =	vld.idx.msk [tilespmem:v20+s24+$0x0], $0xffff  }
0x90: {  	v19 =	vor.u32 s16, v13;
	v20 =	vmov s18;
	v18 =	vadd.s32 $0x20, v18  }
0x91: {  	v21 =	vor.u32 s16, v14;
	v22 =	vand.u32 $0x7FFFFF80, v20;
	v18 =	vand.u32 $0x7F, v18  }
0x92: {  	v20 =	vand.u32 $0x7F, v20;
	v22 =	vadd.s32 v11, v22;
	v18 =	vbroadcast v18, $0x0  }
0x93: {  	v20 =	vor.u32 v20, v22  }
0x94: {  	v16 =	vmul.f32 v17, v16;
	v17 =	vor.u32 v11, v18  }
0x95: {  	s15 =	sadd.s32 $0x1, s13;
	v18 =	vmov s14  }
0x96: {  	v22 =	vmov s15;
	v18 =	vadd.s32 $0x20, v18;
	[tilespmem:v19+s29+$0x0] =	vst.idx.msk $0xffff, v16  }
0x97: {  	v16 =	vand.u32 $0x7FFFFF80, v22;
	v18 =	vand.u32 $0x7F, v18;
	[tilespmem:v21+s29+$0x0] =	vst.idx.msk $0xffff, v15  }
0x98: {  	v19 =	vand.u32 $0x7F, v22;
	v16 =	vadd.s32 v11, v16;
	v18 =	vbroadcast v18, $0x0;
	v20 =	vld.idx.msk [tilespmem:v20+s5+$0x0], $0xffff  }
0x99: {  	s16 =	simm.s32 $0x2;
	v16 =	vor.u32 v19, v16;
	v19 =	vld.idx.msk [tilespmem:v17+s24+$0x0], $0xffff  }
0x9a: {  	s18 =	sadd.s32 $0x2, s13;
	v17 =	vor.u32 v11, v18;
	v18 =	vmov s16  }
0x9b: {  	v21 =	vmov s18;
	v18 =	vadd.s32 $0x20, v18  }
0x9c: {  	v22 =	vand.u32 $0x7FFFFF80, v21;
	v18 =	vand.u32 $0x7F, v18  }
0x9d: {  	v23 =	vbroadcast v18, $0x0;
	v18 =	vand.u32 $0x7F, v21;
	v21 =	vadd.s32 v11, v22  }
0x9e: {  	v16 =	vld.idx.msk [tilespmem:v16+s5+$0x0], $0xffff;
	v18 =	vor.u32 v18, v21;
	v20 =	vmul.f32 v19, v20  }
0x9f: {  	s14 =	simm.s32 $0x3;
	v17 =	vld.idx.msk [tilespmem:v17+s24+$0x0], $0xffff;
	v19 =	vor.u32 v11, v23  }
.LBB2_10:
0xa0: {  	v21 =	vmov s14;
	s15 =	sadd.s32 s13, s14;
	p0 =	sne.s32 s14, $0x1F;
	s14 =	sadd.s32 $0x1, s14;
	v15 =	vadd.f32 v20, v15  }
.Ltmp3:
0xa1: {  	v20 =	vmov s15;
	v21 =	vadd.s32 $0x20, v21;
	(pc) =	sbr.rel @p0 .LBB2_10-.Ltmp3, $4  }
0xa2: {  	v22 =	vand.u32 $0x7FFFFF80, v20;
	v21 =	vand.u32 $0x7F, v21  }
0xa3: {  	v20 =	vand.u32 $0x7F, v20;
	v23 =	vmovc v16;
	v22 =	vadd.s32 v11, v22;
	v21 =	vbroadcast v21, $0x0;
	v16 =	vld.idx.msk [tilespmem:v18+s5+$0x0], $0xffff  }
0xa4: {  	v18 =	vor.u32 v20, v22;
	v20 =	vmul.f32 v17, v23;
	v17 =	vld.idx.msk [tilespmem:v19+s24+$0x0], $0xffff  }
0xa5: {  	v19 =	vor.u32 v11, v21  }
0xa6: {  	_ =	sdelay $0x3  }
0xa7: {  	v18 =	vld.idx.msk [tilespmem:v18+s5+$0x0], $0xffff  }
0xa8: {  	v19 =	vld.idx.msk [tilespmem:v19+s24+$0x0], $0xffff;
	_ =	sdelay $0x2  }
0xa9: {  	v15 =	vadd.f32 v20, v15;
	v16 =	vmul.f32 v17, v16;
	_ =	sdelay $0x1  }
0xaa: {  	v15 =	vadd.f32 v16, v15;
	v16 =	vmul.f32 v19, v18;
	_ =	sdelay $0x1  }
0xab: {  	v15 =	vadd.f32 v16, v15;
	_ =	sdelay $0x1  }
0xac: {  	v15 =	vmul.f32 $1.767766920e-01, v15;
	_ =	sdelay $0x1  }
0xad: {  	v15 =	vmul.f32 $1.442695020e+00, v15;
	_ =	sdelay $0x1  }
0xae: {  	(erf) = vpow2.f32 v15;
	_ =	sdelay $0x3  }
0xaf: {  	v12 =	vor.u32 v12, v11  }
0xb0: {  	s15 =	simm.s32 $0x0;
	v15 =	vor.u32 $0x1, v12;
	v12 =	vor.u32 $0x60, v11  }
0xb1: {  	v16 =	vor.u32 s15, v12;
	_ =	sdelay $0x2  }
0xb2: {  	v11 =	vpop (erf)  }
0xb3: {  	[tilespmem:v15+s28+$0x0] =	vst.idx.msk $0xffff, v11  }
0xb4: {  	v18 =	vld.idx.msk [tilespmem:v16+s24+$0x0], $0xffff  }
0xb5: {  	v13 =	vor.u32 $0x20, v13  }
0xb6: {  	v14 =	vor.u32 $0x20, v14;
	v15 =	vor.u32 s15, v13  }
0xb7: {  	s14 =	simm.s32 $0x1;
	v16 =	vor.u32 s15, v14  }
0xb8: {  	v17 =	vor.u32 s14, v12  }
0xb9: {  	s15 =	simm.s32 $0x2;
	v18 =	vmul.f32 v18, v11  }
.LBB2_12:
0xba: {  	p0 =	sne.s32 s15, $0x1F  }
0xbb: {  	[tilespmem:v15+s29+$0x0] =	vst.idx.msk $0xffff, v18  }
0xbc: {  	[tilespmem:v16+s29+$0x0] =	vst.idx.msk $0xffff, v1  }
0xbd: {  	v18 =	vld.idx.msk [tilespmem:v17+s24+$0x0], $0xffff;
	_ =	sdelay $0x1  }
.Ltmp4:
0xbe: {  	(pc) =	sbr.rel @p0 .LBB2_12-.Ltmp4, $4  }
0xbf: {  	v15 =	vor.u32 s14, v13  }
0xc0: {  	v16 =	vor.u32 s14, v14;
	s14 =	smov.u32 s15  }
0xc1: {  	v17 =	vor.u32 s15, v12  }
0xc2: {  	s15 =	sadd.s32 $0x1, s15;
	v18 =	vmul.f32 v18, v11  }
0xc3: {  	_ =	sdelay $0x3  }
0xc4: {  	[tilespmem:v15+s29+$0x0] =	vst.idx.msk $0xffff, v18  }
0xc5: {  	[tilespmem:v16+s29+$0x0] =	vst.idx.msk $0xffff, v1  }
0xc6: {  	v12 =	vld.idx.msk [tilespmem:v17+s24+$0x0], $0xffff;
	_ =	sdelay $0x1  }
0xc7: {  	v13 =	vor.u32 s14, v13;
	s9 =	sadd.s32 $0x1, s9  }
0xc8: {  	v14 =	vor.u32 s14, v14;
	p0 =	sne.s32 s9, $0x5  }
.Ltmp5:
0xc9: {  	_ = 	snop;
	(pc) =	sbr.rel @p0 .LBB2_5-.Ltmp5, $3  }
0xca: {  	v11 =	vmul.f32 v12, v11;
	_ =	sdelay $0x1  }
0xcb: {  	[tilespmem:v13+s29+$0x0] =	vst.idx.msk $0xffff, v11  }
0xcc: {  	[tilespmem:v14+s29+$0x0] =	vst.idx.msk $0xffff, v1  }
0xcd: {  	[spmem:s2] =	stream.indirect.scatter.add.f32 [tilespmem:s29], [sflag:$0x3], $0x80, s30, s23, $0xb8;
	[tilespmem:$0x15600] =	vst v63  }
0xce: {  	_ =	swait.ge [sflag:s19], $0x2800  }
0xcf: {  	[sflag:s19] =	ssyncset.done $0x0  }
0xd0: {  	[sflag:s19] =	ssyncadd.s32 $0xFFFFD800  }
0xd1: {  	[spmem:s3] =	stream.indirect.scatter.add.f32 [tilespmem:s28], [sflag:$0x3], $0x80, s31, s23, $0xb8;
	[tilespmem:$0x15600] =	vst v63  }
0xd2: {  	_ =	swait.ge [sflag:s19], $0x2800  }
0xd3: {  	[sflag:s19] =	ssyncset.done $0x0  }
0xd4: {  	[sflag:s19] =	ssyncadd.s32 $0xFFFFD800  }
0xd5: {  	v11 =	vld [tilespmem:$0xA080];
	_ =	sdelay $0x4  }
0xd6: {  	v11 =	vshll.u32 v11, $0x3  }
0xd7: {  	v11 =	vand.u32 $0x78, v11  }
0xd8: {  	v12 =	vor.u32 v0, v11  }
0xd9: {  	v11 =	vor.u32 v2, v11;
	_ =	sdelay $0x3  }
0xda: {  	[tilespmem:v12+s28+$0x0] =	vst.idx.msk $0xffff, v1  }
0xdb: {  	[tilespmem:v11+s28+$0x0] =	vst.idx.msk $0xffff, v1  }
0xdc: {  	v11 =	vld [tilespmem:$0xA090];
	_ =	sdelay $0x4  }
0xdd: {  	v11 =	vshll.u32 v11, $0x3  }
0xde: {  	v11 =	vand.u32 $0x78, v11  }
0xdf: {  	v60 =	vor.u32 v3, v11  }
0xe0: {  	v11 =	vor.u32 v4, v11;
	_ =	sdelay $0x3  }
0xe1: {  	[tilespmem:v60+s28+$0x0] =	vst.idx.msk $0xffff, v1  }
0xe2: {  	[tilespmem:v11+s28+$0x0] =	vst.idx.msk $0xffff, v1  }
0xe3: {  	v11 =	vld [tilespmem:$0xA0A0];
	_ =	sdelay $0x4  }
0xe4: {  	v11 =	vshll.u32 v11, $0x3  }
0xe5: {  	v11 =	vand.u32 $0x78, v11  }
0xe6: {  	v61 =	vor.u32 v5, v11  }
0xe7: {  	v11 =	vor.u32 v6, v11;
	_ =	sdelay $0x3  }
0xe8: {  	[tilespmem:v61+s28+$0x0] =	vst.idx.msk $0xffff, v1  }
0xe9: {  	[tilespmem:v11+s28+$0x0] =	vst.idx.msk $0xffff, v1  }
0xea: {  	v11 =	vld [tilespmem:$0xA0B0];
	_ =	sdelay $0x4  }
0xeb: {  	v11 =	vshll.u32 v11, $0x3  }
0xec: {  	v11 =	vand.u32 $0x78, v11  }
0xed: {  	v62 =	vor.u32 v7, v11  }
0xee: {  	v11 =	vor.u32 v8, v11;
	_ =	sdelay $0x3  }
0xef: {  	[tilespmem:v62+s28+$0x0] =	vst.idx.msk $0xffff, v1  }
0xf0: {  	[tilespmem:v11+s28+$0x0] =	vst.idx.msk $0xffff, v1  }
0xf1: {  	v11 =	vld [tilespmem:$0xA0C0];
	_ =	sdelay $0x4  }
0xf2: {  	v11 =	vshll.u32 v11, $0x3  }
0xf3: {  	v11 =	vand.u32 $0x78, v11  }
0xf4: {  	s8 =	sadd.s32 $0x1, s8;
	v63 =	vor.u32 v9, v11  }
0xf5: {  	p0 =	sne.s32 s8, $0xFA;
	v11 =	vor.u32 v10, v11  }
.Ltmp6:
0xf6: {  	_ = 	snop;
	(pc) =	sbr.rel @p0 .LBB2_4-.Ltmp6, $3  }
0xf7: {  	_ =	sdelay $0x1  }
0xf8: {  	[tilespmem:v63+s28+$0x0] =	vst.idx.msk $0xffff, v1  }
0xf9: {  	[tilespmem:v11+s28+$0x0] =	vst.idx.msk $0xffff, v1  }
0xfa: {  	[bflag:$0x0] =	sbarrier.arrive $0xFFFF  }
0xfb: {  	s4 =	rddreg [dreg:$0x7]  }
0xfc: {  	[hbm:s4], [sflag:s10] =	dma.local [spmem:s20], $0x1400  }
0xfd: {  	_ =	swait.ge [sflag:s19], $0x1400  }
0xfe: {  	[sflag:s19] =	ssyncset.done $0x0;
	s18 =	rddreg [dreg:$0x8]  }
0xff: {  	s9 =	rddreg [dreg:$0xa];
	[sflag:s19] =	ssyncadd.s32 $0xFFFFEC00  }
0x100: {  	[hbm:s18], [sflag:s10] =	dma.local [spmem:s9], $0x280  }
0x101: {  	_ =	swait.ge [sflag:s19], $0x280  }
0x102: {  	s8 =	smov.u32 s20;
	s0 =	sadd.s32 $0x1, s0;
	s20 =	rddreg [dreg:$0x9]  }
0x103: {  	p0 =	sne.s32 s0, s20  }
.Ltmp7:
0x104: {  	_ = 	snop;
	(pc) =	sbr.rel @p0 .LBB2_1-.Ltmp7, $3  }
0x105: {  	_ =	sdelay $0x1  }
0x106: {  	[sflag:s19] =	ssyncset.done $0x0  }
0x107: {  	[sflag:s19] =	ssyncadd.s32 $0xFFFFFD80  }
0x108: {  	_ =	sfence.sel $0x180000  }
0x109: {  	[bflag:$0x0] =	sbarrier.arrive $0xFFFF  }
0x10a: {  	_ =	strace $0x90000047  }
0x10b: {  	s0 =	stileid.u32;
	[bflag:$0x2] =	sbarrier.arrive $0xFFFF  }
0x10c: {  	p0 =	sne.s32 s0, $0x0;
	s0 =	rddreg [dreg:$0x4]  }
0x10d: {  	s0 =	sadd.s32 @!p0 $0x100000, s0  }
0x10e: {  	[sflag:s0] =	ssyncadd.tile.s32 @!p0 $0x1;
	_ =	shalt  }
.Lfunc_end2:
_tile_overlayer_lowered:
.L_overlay_start_2:
0x10f: {  	(tag) =	ssettag $0x2  }
0x110: {  	s0 =	rddreg [dreg:$0x0];
	s2 =	stileid.u32  }
0x111: {  	s1 =	rddreg [dreg:$0x1];
	p0 =	sne.s32 s2, $0x0  }
0x112: {  	s3 =	rddreg [dreg:$0x2];
	[bflag:$0x3] =	sbarrier.arrive $0xFFFF;
	s2 =	simm.s32 @!p0 $0x1C03  }
0x113: {  	[timem:s3], [sflag:s2] =	dma.local @!p0 [hbm:s0], s1  }
0x114: {  	s0 =	simm.s32 @!p0 $0x3  }
0x115: {  	_ =	swait.ge @!p0 [sflag:s0], s1  }
0x116: {  	s1 =	ssub.s32 @!p0 $0x0, s1;
	[sflag:s0] =	ssyncset.done @!p0 $0x0  }
0x117: {  	[sflag:s0] =	ssyncadd.s32 @!p0 s1  }
0x118: {  	[bflag:$0x3] =	sbarrier.arrive $0xFFFF  }
0x119: {  	_ =	shalt  }

</sc_bundles>
